<compile_context>
chip_gen: v7x
topology: tpu7x:2x2x1
jax: 0.10.2.dev20260603
libtpu: 0.0.44.dev20260713+nightly
codegen_flags: <defaults>
</compile_context>

<pallas_src>
import functools

import jax
import jax.numpy as jnp
from jax import lax
from jax.experimental import pallas as pl
from jax.experimental.pallas import tpu as pltpu
from jax.experimental.pallas import tpu_sc as plsc

S = 2048
H = 768
E = 64
K = 2
F = 384
SHF = 768
TT = 128
NT = S // TT
MT = 96
P = MT * TT
NSLOT = S * K

_pallas_call = pl.pallas_call


def _silu(v):
    return v * jax.nn.sigmoid(v)


def _router_body(x_ref, cent_ref, bias_ref,
                 w_ref, tok_ref, dest_ref, te_ref, valid_ref,
                 cnt_scr, idx_scr, rank_scr):
    i = pl.program_id(0)

    @pl.when(i == 0)
    def _():
        cnt_scr[...] = jnp.zeros_like(cnt_scr)

    x = x_ref[...]
    s = jax.nn.sigmoid(
        lax.dot_general(x, cent_ref[...], (((1,), (1,)), ((), ())),
                        preferred_element_type=jnp.float32))
    b = s + bias_ref[...]

    ii = lax.broadcasted_iota(jnp.int32, (TT, E), 1).astype(jnp.float32)
    m1 = jnp.max(b, axis=1, keepdims=True)
    e1 = jnp.min(jnp.where(b >= m1, ii, float(E)), axis=1, keepdims=True)
    oh1 = (ii == e1).astype(jnp.float32)
    b2 = jnp.where(oh1 > 0.0, -jnp.inf, b)
    m2 = jnp.max(b2, axis=1, keepdims=True)
    e2 = jnp.min(jnp.where(b2 >= m2, ii, float(E)), axis=1, keepdims=True)
    oh2 = (ii == e2).astype(jnp.float32)

    a1 = jnp.sum(s * oh1, axis=1, keepdims=True)
    a2 = jnp.sum(s * oh2, axis=1, keepdims=True)
    tot = a1 + a2 + 1e-20
    w1 = a1 / tot
    w2 = a2 / tot

    tri = (lax.broadcasted_iota(jnp.int32, (TT, TT), 0) >=
           lax.broadcasted_iota(jnp.int32, (TT, TT), 1)).astype(jnp.float32)
    csum1 = lax.dot_general(tri, oh1, (((1,), (0,)), ((), ())),
                            preferred_element_type=jnp.float32)
    csum2 = lax.dot_general(tri, oh2, (((1,), (0,)), ((), ())),
                            preferred_element_type=jnp.float32)
    sum1 = jnp.sum(oh1, axis=0, keepdims=True)
    sum2 = jnp.sum(oh2, axis=0, keepdims=True)

    cnt = cnt_scr[...]
    rank1 = jnp.sum(oh1 * (csum1 - 1.0 + cnt), axis=1)
    rank2 = jnp.sum(oh2 * (csum2 - 1.0 + cnt + sum1), axis=1)
    cnt_new = cnt + sum1 + sum2
    cnt_scr[...] = cnt_new

    idx_scr[pl.ds(i, 1)] = jnp.concatenate(
        [e1.reshape(1, 1, TT), e2.reshape(1, 1, TT)], axis=1)
    rank_scr[pl.ds(i, 1)] = jnp.concatenate(
        [rank1.reshape(1, 1, TT), rank2.reshape(1, 1, TT)], axis=1)
    w_ref[...] = jnp.concatenate(
        [w1.reshape(1, 1, TT), w2.reshape(1, 1, TT)], axis=1)
    tok_ref[...] = (lax.broadcasted_iota(jnp.int32, (1, K, TT), 2) + i * TT)

    @pl.when(i == NT - 1)
    def _():
        c = cnt_new
        pc = jnp.floor((c + float(TT - 1)) * (1.0 / TT)) * float(TT)
        lt = (lax.broadcasted_iota(jnp.int32, (E, E), 0) <
              lax.broadcasted_iota(jnp.int32, (E, E), 1)).astype(jnp.float32)
        offs = lax.dot_general(pc, lt, (((1,), (0,)), ((), ())),
                               preferred_element_type=jnp.float32)

        idx = idx_scr[...]
        oh = (idx[..., None] ==
              lax.broadcasted_iota(jnp.int32, (NT, K, TT, E), 3).astype(
                  jnp.float32)).astype(jnp.float32)
        dest = (jnp.sum(oh * offs.reshape(1, 1, 1, E), axis=-1)
                + rank_scr[...])
        dest_ref[...] = dest.astype(jnp.int32)

        starts = offs * (1.0 / TT)
        ends = (offs + pc) * (1.0 / TT)
        tt_i = lax.broadcasted_iota(jnp.int32, (MT, E), 0).astype(jnp.float32)
        cond = (tt_i >= starts) & (tt_i < ends)
        te = jnp.sum(
            jnp.where(cond,
                      lax.broadcasted_iota(jnp.int32, (MT, E), 1).astype(
                          jnp.float32), 0.0),
            axis=1)
        last_e = jnp.max(
            jnp.where(pc > 0.0,
                      lax.broadcasted_iota(jnp.int32, (1, E), 1).astype(
                          jnp.float32), -1.0))
        last_e = jnp.maximum(last_e, 0.0)
        tvalid = tt_i[:, :1] < (jnp.sum(pc) * (1.0 / TT))
        te = jnp.where(tvalid[:, 0], te, last_e)
        te_ref[...] = te.reshape(1, MT).astype(jnp.int32)
        total_tiles = jnp.sum(pc) * (1.0 / TT)
        valid_ref[...] = (
            lax.broadcasted_iota(jnp.int32, (1, MT), 1).astype(jnp.float32)
            < total_tiles).astype(jnp.int32)


def _router(x2, cent, bias2):
    return _pallas_call(
        _router_body,
        grid=(NT,),
        in_specs=[
            pl.BlockSpec((TT, H), lambda i: (i, 0)),
            pl.BlockSpec((E, H), lambda i: (0, 0)),
            pl.BlockSpec((1, E), lambda i: (0, 0)),
        ],
        out_specs=[
            pl.BlockSpec((1, K, TT), lambda i: (i, 0, 0)),
            pl.BlockSpec((1, K, TT), lambda i: (i, 0, 0)),
            pl.BlockSpec((NT, K, TT), lambda i: (0, 0, 0)),
            pl.BlockSpec((1, MT), lambda i: (0, 0)),
            pl.BlockSpec((1, MT), lambda i: (0, 0)),
        ],
        out_shape=[
            jax.ShapeDtypeStruct((NT, K, TT), jnp.float32),
            jax.ShapeDtypeStruct((NT, K, TT), jnp.int32),
            jax.ShapeDtypeStruct((NT, K, TT), jnp.int32),
            jax.ShapeDtypeStruct((1, MT), jnp.int32),
            jax.ShapeDtypeStruct((1, MT), jnp.int32),
        ],
        scratch_shapes=[
            pltpu.VMEM((1, E), jnp.float32),
            pltpu.VMEM((NT, K, TT), jnp.float32),
            pltpu.VMEM((NT, K, TT), jnp.float32),
        ],
    )(x2, cent, bias2)


_SLOTS_W = NSLOT // 32


@functools.lru_cache(maxsize=None)
def _sc_kernels():
    mesh = plsc.VectorSubcoreMesh(core_axis_name="c", subcore_axis_name="s")

    @functools.partial(
        pl.kernel, mesh=mesh,
        out_type=jax.ShapeDtypeStruct((P, H), jnp.float32),
        scratch_types=[
            pltpu.VMEM((_SLOTS_W,), jnp.int32),
            pltpu.VMEM((_SLOTS_W,), jnp.int32),
            pltpu.VMEM((_SLOTS_W, H), jnp.float32),
            pltpu.SemaphoreType.DMA,
            pltpu.SemaphoreType.DMA,
        ])
    def dispatch(x_hbm, tok_hbm, dest_hbm, xs_hbm, tok_v, dest_v, rows_v,
                 sem_g, sem_s):
        wid = lax.axis_index("s") * 2 + lax.axis_index("c")
        base = wid * _SLOTS_W
        pltpu.sync_copy(tok_hbm.at[pl.ds(base, _SLOTS_W)], tok_v)
        pltpu.sync_copy(dest_hbm.at[pl.ds(base, _SLOTS_W)], dest_v)
        pltpu.async_copy(x_hbm.at[tok_v], rows_v, sem_g).wait()
        pltpu.async_copy(rows_v, xs_hbm.at[dest_v], sem_s).wait()

    @functools.partial(
        pl.kernel, mesh=mesh,
        out_type=jax.ShapeDtypeStruct((NSLOT, H), jnp.float32),
        scratch_types=[
            pltpu.VMEM((_SLOTS_W,), jnp.int32),
            pltpu.VMEM((_SLOTS_W, H), jnp.float32),
            pltpu.SemaphoreType.DMA,
        ])
    def combine_gather(ys_hbm, dest_hbm, yk_hbm, dest_v, rows_v, sem):
        wid = lax.axis_index("s") * 2 + lax.axis_index("c")
        base = wid * _SLOTS_W
        pltpu.sync_copy(dest_hbm.at[pl.ds(base, _SLOTS_W)], dest_v)
        pltpu.async_copy(ys_hbm.at[dest_v], rows_v, sem).wait()
        pltpu.sync_copy(rows_v, yk_hbm.at[pl.ds(base, _SLOTS_W)])

    return dispatch, combine_gather


def _dispatch(x2, tok, dest):
    return _sc_kernels()[0](x2, tok, dest)


def _combine_gather(ys, dest):
    return _sc_kernels()[1](ys, dest)


def _gemm_body(te_ref, valid_ref, xs_ref, wg_ref, wu_ref, wd_ref, ys_ref):
    i = pl.program_id(0)

    @pl.when(valid_ref[i] != 0)
    def _():
        x = xs_ref[...]
        g = jnp.dot(x, wg_ref[0], preferred_element_type=jnp.float32)
        u = jnp.dot(x, wu_ref[0], preferred_element_type=jnp.float32)
        act = _silu(g) * u
        ys_ref[...] = jnp.dot(act, wd_ref[0],
                              preferred_element_type=jnp.float32)


def _group_gemm(te, valid, xs, wg_e, wu_e, wd_e):
    grid_spec = pltpu.PrefetchScalarGridSpec(
        num_scalar_prefetch=2,
        grid=(MT,),
        in_specs=[
            pl.BlockSpec(
                (TT, H),
                lambda i, te_r, v_r: (jnp.where(v_r[i] != 0, i, 0), 0)),
            pl.BlockSpec((1, H, F), lambda i, te_r, v_r: (te_r[i], 0, 0)),
            pl.BlockSpec((1, H, F), lambda i, te_r, v_r: (te_r[i], 0, 0)),
            pl.BlockSpec((1, F, H), lambda i, te_r, v_r: (te_r[i], 0, 0)),
        ],
        out_specs=pl.BlockSpec(
            (TT, H),
            lambda i, te_r, v_r: (jnp.where(v_r[i] != 0, i, MT - 1), 0)),
    )
    return _pallas_call(
        _gemm_body,
        grid_spec=grid_spec,
        out_shape=jax.ShapeDtypeStruct((P, H), jnp.float32),
    )(te, valid, xs, wg_e, wu_e, wd_e)


def _combine_body(x_ref, wgs_ref, wus_ref, wds_ref, yk_ref, w_ref, out_ref):
    x = x_ref[...]
    g = jnp.dot(x, wgs_ref[...], preferred_element_type=jnp.float32)
    u = jnp.dot(x, wus_ref[...], preferred_element_type=jnp.float32)
    sh = 0.1 * jnp.dot(_silu(g) * u, wds_ref[...],
                       preferred_element_type=jnp.float32)
    yk = yk_ref[0]
    w = w_ref[0]
    out_ref[...] = (sh + yk[0] * w[0][:, None] + yk[1] * w[1][:, None])


def _combine(x2, wgs, wus, wds, yk4, wf):
    return _pallas_call(
        _combine_body,
        grid=(NT,),
        in_specs=[
            pl.BlockSpec((TT, H), lambda i: (i, 0)),
            pl.BlockSpec((H, SHF), lambda i: (0, 0)),
            pl.BlockSpec((H, SHF), lambda i: (0, 0)),
            pl.BlockSpec((SHF, H), lambda i: (0, 0)),
            pl.BlockSpec((1, K, TT, H), lambda i: (i, 0, 0, 0)),
            pl.BlockSpec((1, K, TT), lambda i: (i, 0, 0)),
        ],
        out_specs=pl.BlockSpec((TT, H), lambda i: (i, 0)),
        out_shape=jax.ShapeDtypeStruct((S, H), jnp.float32),
    )(x2, wgs, wus, wds, yk4, wf)


def kernel(x, expert_centroids, gate_bias, Wg_shared, Wu_shared, Wd_shared,
           Wg_e, Wu_e, Wd_e):
    x2 = x.reshape(S, H)
    bias2 = gate_bias.reshape(1, E)

    wf, tok3, dest3, te2, valid2 = _router(x2, expert_centroids, bias2)
    dest = dest3.reshape(NSLOT)
    tok = tok3.reshape(NSLOT)

    xs = _dispatch(x2, tok, dest)
    ys = _group_gemm(te2.reshape(MT), valid2.reshape(MT), xs,
                     Wg_e, Wu_e, Wd_e)
    yk = _combine_gather(ys, dest)

    out = _combine(x2, Wg_shared, Wu_shared, Wd_shared,
                   yk.reshape(NT, K, TT, H), wf)
    return out.reshape(1, S, H)

# --- scband reference (transcript-rebuilt; emitter-appended) ---
"""Pipeline reference for scband-aux-loss-free-mo-e-52939766890807 (READ-ONLY COPY).

The authoritative reference and input builder live on the scoring server;
editing this copy changes nothing except your own understanding.
"""

import jax, jax.numpy as jnp
import numpy as np

B, S, HIDDEN = 1, 2048, 768
E, K, INTER = 64, 2, 384
N_SHARED = 2
SHARED_RATIO = 0.1
SH_INTER = INTER * N_SHARED


def _silu(v):
    return v * jax.nn.sigmoid(v)


def setup_inputs(seed: int = 0) -> dict:
    key = jax.random.key(seed)
    ks = jax.random.split(key, 9)
    x = jax.random.normal(ks[0], (B, S, HIDDEN), dtype=jnp.float32)
    expert_centroids = jax.random.normal(ks[1], (E, HIDDEN), dtype=jnp.float32)
    gate_bias = jnp.zeros((E,), dtype=jnp.float32)
    Wg_shared = jax.random.normal(ks[2], (HIDDEN, SH_INTER), dtype=jnp.float32) * 0.02
    Wu_shared = jax.random.normal(ks[3], (HIDDEN, SH_INTER), dtype=jnp.float32) * 0.02
    Wd_shared = jax.random.normal(ks[4], (SH_INTER, HIDDEN), dtype=jnp.float32) * 0.02
    Wg_e = jax.random.normal(ks[5], (E, HIDDEN, INTER), dtype=jnp.float32) * 0.02
    Wu_e = jax.random.normal(ks[6], (E, HIDDEN, INTER), dtype=jnp.float32) * 0.02
    Wd_e = jax.random.normal(ks[7], (E, INTER, HIDDEN), dtype=jnp.float32) * 0.02
    return {
        'x': x,
        'expert_centroids': expert_centroids,
        'gate_bias': gate_bias,
        'Wg_shared': Wg_shared,
        'Wu_shared': Wu_shared,
        'Wd_shared': Wd_shared,
        'Wg_e': Wg_e,
        'Wu_e': Wu_e,
        'Wd_e': Wd_e,
    }


def reference(x, expert_centroids, gate_bias, Wg_shared, Wu_shared, Wd_shared, Wg_e, Wu_e, Wd_e):
    # 1) shared expert applied to ALL tokens, scaled by shared_expert_ratio
    shared_output = SHARED_RATIO * ((_silu(x @ Wg_shared) * (x @ Wu_shared)) @ Wd_shared)
    # 2) centroid affinity (DeepSeek-V3 sigmoid gating): [B, S, E]
    affinity_scores = jax.nn.sigmoid(jnp.einsum('bsh,eh->bse', x, expert_centroids))
    # 3) dynamic-bias load balancing: bias only affects SELECTION, not weights
    scores_with_bias = affinity_scores + gate_bias
    # 4) top-k selection on biased scores
    top_k_scores, top_k_indices = jax.lax.top_k(scores_with_bias, K)
    # 5) clean (un-biased) affinities at selected experts, normalized to weights
    top_k_affinity = jnp.take_along_axis(affinity_scores, top_k_indices, axis=-1)
    expert_weights = top_k_affinity / (jnp.sum(top_k_affinity, axis=-1, keepdims=True) + 1e-20)
    # 6) dispatch tokens to experts and combine. Dense masked compute over all
    #    experts (combine weight is zero for non-selected experts) -- mathematically
    #    identical to sparse per-expert dispatch.
    w_full = jnp.sum(jax.nn.one_hot(top_k_indices, E, dtype=x.dtype) * expert_weights[..., None], axis=2)  # [B,S,E]
    h1 = jnp.einsum('bsh,ehf->bsef', x, Wg_e)
    h2 = jnp.einsum('bsh,ehf->bsef', x, Wu_e)
    act = _silu(h1) * h2 * w_full[..., None]
    routed_output = jnp.einsum('bsef,efh->bsh', act, Wd_e)
    return shared_output + routed_output

if __name__ == "__main__":
    import jax
    _d = setup_inputs()
    print(jax.jit(kernel)(*tuple(_d.values())))

</pallas_src>

<mosaic_0001>
#map = affine_map<(d0, d1) -> (0, 0)>
#map1 = affine_map<(d0, d1) -> (0)>
module attributes {stable_mosaic.version = 14 : i64} {
  func.func @dispatch(%arg0: i32, %arg1: i32, %arg2: memref<2048x768xf32, #tpu.memory_space<hbm>>, %arg3: memref<4096xi32, #tpu.memory_space<hbm>>, %arg4: memref<4096xi32, #tpu.memory_space<hbm>>, %arg5: memref<12288x768xf32, #tpu.memory_space<hbm>>, %arg6: memref<128xi32, #tpu.memory_space<vmem>>, %arg7: memref<128xi32, #tpu.memory_space<vmem>>, %arg8: memref<128x768xf32, #tpu.memory_space<vmem>>, %arg9: memref<!tpu.dma_semaphore, #tpu.memory_space<semaphore_mem>>, %arg10: memref<!tpu.dma_semaphore, #tpu.memory_space<semaphore_mem>>) attributes {dimension_semantics = [#tpu.dimension_semantics<core_parallel>, #tpu.dimension_semantics<subcore_parallel>], iteration_bounds = array<i64: 2, 16>, scalar_prefetch = 0 : i64, scratch_operands = 5 : i64, tpu.core_type = #tpu.core_type<sc_vector_subcore>, window_params = [{transform_indices = #map}, {transform_indices = #map1}, {transform_indices = #map1}, {transform_indices = #map}]} {
    %mul3A = arith.constant 2 : i32
    %mul3A_0 = arith.muli %arg1, %mul3A : i32
    %add3A = arith.addi %mul3A_0, %arg0 : i32
    %mul3A_1 = arith.constant 128 : i32
    %mul3A_2 = arith.muli %add3A, %mul3A_1 : i32
    "tpu.region"() ({
      %run_scoped3A = tpu.sem_alloc : memref<!tpu.dma_semaphore, #tpu.memory_space<semaphore_mem>>
      %dma_start3A_13 = tpu.memref_slice %arg3[%mul3A_2] : memref<4096xi32, #tpu.memory_space<hbm>> -> memref<128xi32, #tpu.memory_space<hbm>>
      %dma_start3A_14 = tpu.memref_slice %arg3[%mul3A_2] : memref<4096xi32, #tpu.memory_space<hbm>> -> memref<128xi32, #tpu.memory_space<hbm>>
      tpu.enqueue_dma source(%dma_start3A_14 : memref<128xi32, #tpu.memory_space<hbm>>) target(%arg6 : memref<128xi32, #tpu.memory_space<vmem>>) target_semaphore(%run_scoped3A : memref<!tpu.dma_semaphore, #tpu.memory_space<semaphore_mem>>)
      %dma_wait3A_15 = tpu.memref_slice %arg3[%mul3A_2] : memref<4096xi32, #tpu.memory_space<hbm>> -> memref<128xi32, #tpu.memory_space<hbm>>
      %dma_wait3A_16 = tpu.memref_slice %arg3[%mul3A_2] : memref<4096xi32, #tpu.memory_space<hbm>> -> memref<128xi32, #tpu.memory_space<hbm>>
      tpu.wait_dma2 semaphore(%run_scoped3A : memref<!tpu.dma_semaphore, #tpu.memory_space<semaphore_mem>>) src(%dma_wait3A_16 : memref<128xi32, #tpu.memory_space<hbm>>) dst(%arg6 : memref<128xi32, #tpu.memory_space<vmem>>)
      tpu.yield
    }) : () -> ()
    "tpu.region"() ({
      %run_scoped3A = tpu.sem_alloc : memref<!tpu.dma_semaphore, #tpu.memory_space<semaphore_mem>>
      %dma_start3A_13 = tpu.memref_slice %arg4[%mul3A_2] : memref<4096xi32, #tpu.memory_space<hbm>> -> memref<128xi32, #tpu.memory_space<hbm>>
      %dma_start3A_14 = tpu.memref_slice %arg4[%mul3A_2] : memref<4096xi32, #tpu.memory_space<hbm>> -> memref<128xi32, #tpu.memory_space<hbm>>
      tpu.enqueue_dma source(%dma_start3A_14 : memref<128xi32, #tpu.memory_space<hbm>>) target(%arg7 : memref<128xi32, #tpu.memory_space<vmem>>) target_semaphore(%run_scoped3A : memref<!tpu.dma_semaphore, #tpu.memory_space<semaphore_mem>>)
      %dma_wait3A_15 = tpu.memref_slice %arg4[%mul3A_2] : memref<4096xi32, #tpu.memory_space<hbm>> -> memref<128xi32, #tpu.memory_space<hbm>>
      %dma_wait3A_16 = tpu.memref_slice %arg4[%mul3A_2] : memref<4096xi32, #tpu.memory_space<hbm>> -> memref<128xi32, #tpu.memory_space<hbm>>
      tpu.wait_dma2 semaphore(%run_scoped3A : memref<!tpu.dma_semaphore, #tpu.memory_space<semaphore_mem>>) src(%dma_wait3A_16 : memref<128xi32, #tpu.memory_space<hbm>>) dst(%arg7 : memref<128xi32, #tpu.memory_space<vmem>>)
      tpu.yield
    }) : () -> ()
    %dma_start3A = arith.constant 0 : i32
    %dma_start3A_3 = arith.constant 0 : i32
    %dma_start3A_4 = tpu.memref_slice %arg2[%dma_start3A, %dma_start3A_3] : memref<2048x768xf32, #tpu.memory_space<hbm>> -> memref<2048x768xf32, #tpu.memory_space<hbm>>
    tpu.enqueue_indirect_dma source(%dma_start3A_4 : memref<2048x768xf32, #tpu.memory_space<hbm>>) target(%arg8 : memref<128x768xf32, #tpu.memory_space<vmem>>) offsets(%arg6 : memref<128xi32, #tpu.memory_space<vmem>>) semaphore(%arg9 : memref<!tpu.dma_semaphore, #tpu.memory_space<semaphore_mem>>)
    %dma_wait3A = arith.constant 0 : i32
    %dma_wait3A_5 = arith.constant 0 : i32
    %dma_wait3A_6 = tpu.memref_slice %arg2[%dma_wait3A, %dma_wait3A_5] : memref<2048x768xf32, #tpu.memory_space<hbm>> -> memref<2048x768xf32, #tpu.memory_space<hbm>>
    tpu.wait_indirect_dma semaphore(%arg9 : memref<!tpu.dma_semaphore, #tpu.memory_space<semaphore_mem>>) src(%dma_wait3A_6 : memref<2048x768xf32, #tpu.memory_space<hbm>>) dst(%arg8 : memref<128x768xf32, #tpu.memory_space<vmem>>)
    %dma_start3A_7 = arith.constant 0 : i32
    %dma_start3A_8 = arith.constant 0 : i32
    %dma_start3A_9 = tpu.memref_slice %arg5[%dma_start3A_7, %dma_start3A_8] : memref<12288x768xf32, #tpu.memory_space<hbm>> -> memref<12288x768xf32, #tpu.memory_space<hbm>>
    tpu.enqueue_indirect_dma source(%arg8 : memref<128x768xf32, #tpu.memory_space<vmem>>) target(%dma_start3A_9 : memref<12288x768xf32, #tpu.memory_space<hbm>>) offsets(%arg7 : memref<128xi32, #tpu.memory_space<vmem>>) semaphore(%arg10 : memref<!tpu.dma_semaphore, #tpu.memory_space<semaphore_mem>>)
    %dma_wait3A_10 = arith.constant 0 : i32
    %dma_wait3A_11 = arith.constant 0 : i32
    %dma_wait3A_12 = tpu.memref_slice %arg5[%dma_wait3A_10, %dma_wait3A_11] : memref<12288x768xf32, #tpu.memory_space<hbm>> -> memref<12288x768xf32, #tpu.memory_space<hbm>>
    tpu.wait_indirect_dma semaphore(%arg10 : memref<!tpu.dma_semaphore, #tpu.memory_space<semaphore_mem>>) src(%arg8 : memref<128x768xf32, #tpu.memory_space<vmem>>) dst(%dma_wait3A_12 : memref<12288x768xf32, #tpu.memory_space<hbm>>)
    return
  }
}

#map = affine_map<(d0, d1) -> (0, 0)>
#map1 = affine_map<(d0, d1) -> (0)>
module attributes {stable_mosaic.version = 14 : i64} {
  func.func @combine_gather(%arg0: i32, %arg1: i32, %arg2: memref<12288x768xf32, #tpu.memory_space<hbm>>, %arg3: memref<4096xi32, #tpu.memory_space<hbm>>, %arg4: memref<4096x768xf32, #tpu.memory_space<hbm>>, %arg5: memref<128xi32, #tpu.memory_space<vmem>>, %arg6: memref<128x768xf32, #tpu.memory_space<vmem>>, %arg7: memref<!tpu.dma_semaphore, #tpu.memory_space<semaphore_mem>>) attributes {dimension_semantics = [#tpu.dimension_semantics<core_parallel>, #tpu.dimension_semantics<subcore_parallel>], iteration_bounds = array<i64: 2, 16>, scalar_prefetch = 0 : i64, scratch_operands = 3 : i64, tpu.core_type = #tpu.core_type<sc_vector_subcore>, window_params = [{transform_indices = #map}, {transform_indices = #map1}, {transform_indices = #map}]} {
    %mul3A = arith.constant 2 : i32
    %mul3A_0 = arith.muli %arg1, %mul3A : i32
    %add3A = arith.addi %mul3A_0, %arg0 : i32
    %mul3A_1 = arith.constant 128 : i32
    %mul3A_2 = arith.muli %add3A, %mul3A_1 : i32
    "tpu.region"() ({
      %run_scoped3A = tpu.sem_alloc : memref<!tpu.dma_semaphore, #tpu.memory_space<semaphore_mem>>
      %dma_start3A_7 = tpu.memref_slice %arg3[%mul3A_2] : memref<4096xi32, #tpu.memory_space<hbm>> -> memref<128xi32, #tpu.memory_space<hbm>>
      %dma_start3A_8 = tpu.memref_slice %arg3[%mul3A_2] : memref<4096xi32, #tpu.memory_space<hbm>> -> memref<128xi32, #tpu.memory_space<hbm>>
      tpu.enqueue_dma source(%dma_start3A_8 : memref<128xi32, #tpu.memory_space<hbm>>) target(%arg5 : memref<128xi32, #tpu.memory_space<vmem>>) target_semaphore(%run_scoped3A : memref<!tpu.dma_semaphore, #tpu.memory_space<semaphore_mem>>)
      %dma_wait3A_9 = tpu.memref_slice %arg3[%mul3A_2] : memref<4096xi32, #tpu.memory_space<hbm>> -> memref<128xi32, #tpu.memory_space<hbm>>
      %dma_wait3A_10 = tpu.memref_slice %arg3[%mul3A_2] : memref<4096xi32, #tpu.memory_space<hbm>> -> memref<128xi32, #tpu.memory_space<hbm>>
      tpu.wait_dma2 semaphore(%run_scoped3A : memref<!tpu.dma_semaphore, #tpu.memory_space<semaphore_mem>>) src(%dma_wait3A_10 : memref<128xi32, #tpu.memory_space<hbm>>) dst(%arg5 : memref<128xi32, #tpu.memory_space<vmem>>)
      tpu.yield
    }) : () -> ()
    %dma_start3A = arith.constant 0 : i32
    %dma_start3A_3 = arith.constant 0 : i32
    %dma_start3A_4 = tpu.memref_slice %arg2[%dma_start3A, %dma_start3A_3] : memref<12288x768xf32, #tpu.memory_space<hbm>> -> memref<12288x768xf32, #tpu.memory_space<hbm>>
    tpu.enqueue_indirect_dma source(%dma_start3A_4 : memref<12288x768xf32, #tpu.memory_space<hbm>>) target(%arg6 : memref<128x768xf32, #tpu.memory_space<vmem>>) offsets(%arg5 : memref<128xi32, #tpu.memory_space<vmem>>) semaphore(%arg7 : memref<!tpu.dma_semaphore, #tpu.memory_space<semaphore_mem>>)
    %dma_wait3A = arith.constant 0 : i32
    %dma_wait3A_5 = arith.constant 0 : i32
    %dma_wait3A_6 = tpu.memref_slice %arg2[%dma_wait3A, %dma_wait3A_5] : memref<12288x768xf32, #tpu.memory_space<hbm>> -> memref<12288x768xf32, #tpu.memory_space<hbm>>
    tpu.wait_indirect_dma semaphore(%arg7 : memref<!tpu.dma_semaphore, #tpu.memory_space<semaphore_mem>>) src(%dma_wait3A_6 : memref<12288x768xf32, #tpu.memory_space<hbm>>) dst(%arg6 : memref<128x768xf32, #tpu.memory_space<vmem>>)
    "tpu.region"() ({
      %run_scoped3A = tpu.sem_alloc : memref<!tpu.dma_semaphore, #tpu.memory_space<semaphore_mem>>
      %dma_start3A_7 = arith.constant 0 : i32
      %dma_start3A_8 = tpu.memref_slice %arg4[%mul3A_2, %dma_start3A_7] : memref<4096x768xf32, #tpu.memory_space<hbm>> -> memref<128x768xf32, #tpu.memory_space<hbm>>
      %dma_start3A_9 = arith.constant 0 : i32
      %dma_start3A_10 = tpu.memref_slice %arg4[%mul3A_2, %dma_start3A_9] : memref<4096x768xf32, #tpu.memory_space<hbm>> -> memref<128x768xf32, #tpu.memory_space<hbm>>
      tpu.enqueue_dma source(%arg6 : memref<128x768xf32, #tpu.memory_space<vmem>>) target(%dma_start3A_10 : memref<128x768xf32, #tpu.memory_space<hbm>>) target_semaphore(%run_scoped3A : memref<!tpu.dma_semaphore, #tpu.memory_space<semaphore_mem>>)
      %dma_wait3A_11 = arith.constant 0 : i32
      %dma_wait3A_12 = tpu.memref_slice %arg4[%mul3A_2, %dma_wait3A_11] : memref<4096x768xf32, #tpu.memory_space<hbm>> -> memref<128x768xf32, #tpu.memory_space<hbm>>
      %dma_wait3A_13 = arith.constant 0 : i32
      %dma_wait3A_14 = tpu.memref_slice %arg4[%mul3A_2, %dma_wait3A_13] : memref<4096x768xf32, #tpu.memory_space<hbm>> -> memref<128x768xf32, #tpu.memory_space<hbm>>
      tpu.wait_dma2 semaphore(%run_scoped3A : memref<!tpu.dma_semaphore, #tpu.memory_space<semaphore_mem>>) src(%arg6 : memref<128x768xf32, #tpu.memory_space<vmem>>) dst(%dma_wait3A_14 : memref<128x768xf32, #tpu.memory_space<hbm>>)
      tpu.yield
    }) : () -> ()
    return
  }
}

module attributes {stable_mosaic.version = 14 : i64} {
  func.func @_gemm_body(%arg0: i32, %arg1: memref<96xi32, #tpu.memory_space<smem>>, %arg2: memref<96xi32, #tpu.memory_space<smem>>, %arg3: memref<128x768xf32, #tpu.memory_space<vmem>>, %arg4: memref<1x768x384xf32, #tpu.memory_space<vmem>>, %arg5: memref<1x768x384xf32, #tpu.memory_space<vmem>>, %arg6: memref<1x384x768xf32, #tpu.memory_space<vmem>>, %arg7: memref<128x768xf32, #tpu.memory_space<vmem>>) attributes {dimension_semantics = [#tpu.dimension_semantics<arbitrary>], iteration_bounds = array<i64: 96>, scalar_prefetch = 2 : i64, scratch_operands = 0 : i64, tpu.core_type = #tpu.core_type<tc>, window_params = [{transform_indices = @transform_0, window_bounds = array<i64: 128, 768>}, {transform_indices = @transform_1, window_bounds = array<i64: 1, 768, 384>}, {transform_indices = @transform_2, window_bounds = array<i64: 1, 768, 384>}, {transform_indices = @transform_3, window_bounds = array<i64: 1, 384, 768>}, {transform_indices = @transform_4, window_bounds = array<i64: 128, 768>}]} {
    %get3A = arith.index_cast %arg0 : i32 to index
    %get3A_0 = memref.load %arg2[%get3A] : memref<96xi32, #tpu.memory_space<smem>>
    %ne3A = arith.constant 0 : i32
    %ne3A_1 = arith.cmpi ne, %get3A_0, %ne3A : i32
    %convert_element_type3A = arith.extui %ne3A_1 : i1 to i32
    %cond3A = arith.constant 0 : i32
    %cond3A_2 = arith.cmpi ne, %convert_element_type3A, %cond3A : i32
    scf.if %cond3A_2 {
      %get3A_3 = arith.constant 0 : index
      %get3A_4 = arith.constant 0 : index
      %get3A_5 = vector.load %arg3[%get3A_3, %get3A_4] : memref<128x768xf32, #tpu.memory_space<vmem>>, vector<128x768xf32>
      %get3A_6 = arith.constant 0 : index
      %get3A_7 = arith.constant 0 : index
      %get3A_8 = arith.constant 0 : index
      %get3A_9 = vector.load %arg4[%get3A_6, %get3A_7, %get3A_8] : memref<1x768x384xf32, #tpu.memory_space<vmem>>, vector<1x768x384xf32>
      %get3A_10 = vector.shape_cast %get3A_9 : vector<1x768x384xf32> to vector<768x384xf32>
      %dot_general3A = arith.constant dense<0.000000e+00> : vector<128x384xf32>
      %dot_general3A_11 = tpu.matmul %get3A_5, %get3A_10, %dot_general3A {dimension_numbers = #tpu.dot_dimension_numbers<[1], [0], [0], [1], [0, 0, 1, 1], [], []>, transpose_lhs_hint = false} : vector<128x768xf32>, vector<768x384xf32>, vector<128x384xf32> -> vector<128x384xf32>
      %get3A_12 = arith.constant 0 : index
      %get3A_13 = arith.constant 0 : index
      %get3A_14 = arith.constant 0 : index
      %get3A_15 = vector.load %arg5[%get3A_12, %get3A_13, %get3A_14] : memref<1x768x384xf32, #tpu.memory_space<vmem>>, vector<1x768x384xf32>
      %get3A_16 = vector.shape_cast %get3A_15 : vector<1x768x384xf32> to vector<768x384xf32>
      %dot_general3A_17 = arith.constant dense<0.000000e+00> : vector<128x384xf32>
      %dot_general3A_18 = tpu.matmul %get3A_5, %get3A_16, %dot_general3A_17 {dimension_numbers = #tpu.dot_dimension_numbers<[1], [0], [0], [1], [0, 0, 1, 1], [], []>, transpose_lhs_hint = false} : vector<128x768xf32>, vector<768x384xf32>, vector<128x384xf32> -> vector<128x384xf32>
      %logistic3A = arith.negf %dot_general3A_11 : vector<128x384xf32>
      %logistic3A_19 = math.exp %logistic3A : vector<128x384xf32>
      %logistic3A_20 = arith.constant 1.000000e+00 : f32
      %logistic3A_21 = vector.broadcast %logistic3A_20 : f32 to vector<128x384xf32>
      %logistic3A_22 = arith.addf %logistic3A_21, %logistic3A_19 : vector<128x384xf32>
      %logistic3A_23 = arith.divf %logistic3A_21, %logistic3A_22 : vector<128x384xf32>
      %mul3A = arith.mulf %dot_general3A_11, %logistic3A_23 : vector<128x384xf32>
      %mul3A_24 = arith.mulf %mul3A, %dot_general3A_18 : vector<128x384xf32>
      %get3A_25 = arith.constant 0 : index
      %get3A_26 = arith.constant 0 : index
      %get3A_27 = arith.constant 0 : index
      %get3A_28 = vector.load %arg6[%get3A_25, %get3A_26, %get3A_27] : memref<1x384x768xf32, #tpu.memory_space<vmem>>, vector<1x384x768xf32>
      %get3A_29 = vector.shape_cast %get3A_28 : vector<1x384x768xf32> to vector<384x768xf32>
      %dot_general3A_30 = arith.constant dense<0.000000e+00> : vector<128x768xf32>
      %dot_general3A_31 = tpu.matmul %mul3A_24, %get3A_29, %dot_general3A_30 {dimension_numbers = #tpu.dot_dimension_numbers<[1], [0], [0], [1], [0, 0, 1, 1], [], []>, transpose_lhs_hint = false} : vector<128x384xf32>, vector<384x768xf32>, vector<128x768xf32> -> vector<128x768xf32>
      %swap3A = arith.constant 0 : index
      %swap3A_32 = arith.constant 0 : index
      %swap3A_33 = vector.load %arg7[%swap3A, %swap3A_32] : memref<128x768xf32, #tpu.memory_space<vmem>>, vector<128x768xf32>
      tpu.vector_store %arg7[%swap3A, %swap3A_32], %dot_general3A_31 {strides = array<i32>} : memref<128x768xf32, #tpu.memory_space<vmem>>, vector<128x768xf32>,
    } else {
    }
    return
  }
  func.func @transform_0(%arg0: i32, %arg1: memref<96xi32, #tpu.memory_space<smem>>, %arg2: memref<96xi32, #tpu.memory_space<smem>>) -> (i32, i32) {
    %get3A = arith.index_cast %arg0 : i32 to index
    %get3A_0 = memref.load %arg2[%get3A] : memref<96xi32, #tpu.memory_space<smem>>
    %ne3A = arith.constant 0 : i32
    %ne3A_1 = arith.cmpi ne, %get3A_0, %ne3A : i32
    %jit3A = arith.constant 0 : i32
    %select_n3A = arith.select %ne3A_1, %arg0, %jit3A : i32
    %c0_i32 = arith.constant 0 : i32
    %c0_i32_2 = arith.constant 0 : i32
    return %select_n3A, %c0_i32 : i32, i32
  }
  func.func @transform_1(%arg0: i32, %arg1: memref<96xi32, #tpu.memory_space<smem>>, %arg2: memref<96xi32, #tpu.memory_space<smem>>) -> (i32, i32, i32) {
    %get3A = arith.index_cast %arg0 : i32 to index
    %get3A_0 = memref.load %arg1[%get3A] : memref<96xi32, #tpu.memory_space<smem>>
    %c0_i32 = arith.constant 0 : i32
    %c0_i32_1 = arith.constant 0 : i32
    %c0_i32_2 = arith.constant 0 : i32
    return %get3A_0, %c0_i32, %c0_i32_1 : i32, i32, i32
  }
  func.func @transform_2(%arg0: i32, %arg1: memref<96xi32, #tpu.memory_space<smem>>, %arg2: memref<96xi32, #tpu.memory_space<smem>>) -> (i32, i32, i32) {
    %get3A = arith.index_cast %arg0 : i32 to index
    %get3A_0 = memref.load %arg1[%get3A] : memref<96xi32, #tpu.memory_space<smem>>
    %c0_i32 = arith.constant 0 : i32
    %c0_i32_1 = arith.constant 0 : i32
    %c0_i32_2 = arith.constant 0 : i32
    return %get3A_0, %c0_i32, %c0_i32_1 : i32, i32, i32
  }
  func.func @transform_3(%arg0: i32, %arg1: memref<96xi32, #tpu.memory_space<smem>>, %arg2: memref<96xi32, #tpu.memory_space<smem>>) -> (i32, i32, i32) {
    %get3A = arith.index_cast %arg0 : i32 to index
    %get3A_0 = memref.load %arg1[%get3A] : memref<96xi32, #tpu.memory_space<smem>>
    %c0_i32 = arith.constant 0 : i32
    %c0_i32_1 = arith.constant 0 : i32
    %c0_i32_2 = arith.constant 0 : i32
    return %get3A_0, %c0_i32, %c0_i32_1 : i32, i32, i32
  }
  func.func @transform_4(%arg0: i32, %arg1: memref<96xi32, #tpu.memory_space<smem>>, %arg2: memref<96xi32, #tpu.memory_space<smem>>) -> (i32, i32) {
    %get3A = arith.index_cast %arg0 : i32 to index
    %get3A_0 = memref.load %arg2[%get3A] : memref<96xi32, #tpu.memory_space<smem>>
    %ne3A = arith.constant 0 : i32
    %ne3A_1 = arith.cmpi ne, %get3A_0, %ne3A : i32
    %jit3A = arith.constant 95 : i32
    %select_n3A = arith.select %ne3A_1, %arg0, %jit3A : i32
    %c0_i32 = arith.constant 0 : i32
    %c0_i32_2 = arith.constant 0 : i32
    return %select_n3A, %c0_i32 : i32, i32
  }
}

module attributes {stable_mosaic.version = 14 : i64} {
  func.func @_combine_body(%arg0: i32, %arg1: memref<128x768xf32, #tpu.memory_space<vmem>>, %arg2: memref<768x768xf32, #tpu.memory_space<vmem>>, %arg3: memref<768x768xf32, #tpu.memory_space<vmem>>, %arg4: memref<768x768xf32, #tpu.memory_space<vmem>>, %arg5: memref<1x2x128x768xf32, #tpu.memory_space<vmem>>, %arg6: memref<1x2x128xf32, #tpu.memory_space<vmem>>, %arg7: memref<128x768xf32, #tpu.memory_space<vmem>>) attributes {dimension_semantics = [#tpu.dimension_semantics<arbitrary>], iteration_bounds = array<i64: 16>, scalar_prefetch = 0 : i64, scratch_operands = 0 : i64, tpu.core_type = #tpu.core_type<tc>, window_params = [{transform_indices = @transform_0, window_bounds = array<i64: 128, 768>}, {pipeline_mode = #tpu.pipeline_mode<synchronous>, transform_indices = @transform_1, window_bounds = array<i64: 768, 768>}, {pipeline_mode = #tpu.pipeline_mode<synchronous>, transform_indices = @transform_2, window_bounds = array<i64: 768, 768>}, {pipeline_mode = #tpu.pipeline_mode<synchronous>, transform_indices = @transform_3, window_bounds = array<i64: 768, 768>}, {transform_indices = @transform_4, window_bounds = array<i64: 1, 2, 128, 768>}, {transform_indices = @transform_5, window_bounds = array<i64: 1, 2, 128>}, {transform_indices = @transform_6, window_bounds = array<i64: 128, 768>}]} {
    %get3A = arith.constant 0 : index
    %get3A_0 = arith.constant 0 : index
    %get3A_1 = vector.load %arg1[%get3A, %get3A_0] : memref<128x768xf32, #tpu.memory_space<vmem>>, vector<128x768xf32>
    %get3A_2 = arith.constant 0 : index
    %get3A_3 = arith.constant 0 : index
    %get3A_4 = vector.load %arg2[%get3A_2, %get3A_3] : memref<768x768xf32, #tpu.memory_space<vmem>>, vector<768x768xf32>
    %dot_general3A = arith.constant dense<0.000000e+00> : vector<128x768xf32>
    %dot_general3A_5 = tpu.matmul %get3A_1, %get3A_4, %dot_general3A {dimension_numbers = #tpu.dot_dimension_numbers<[1], [0], [0], [1], [0, 0, 1, 1], [], []>, transpose_lhs_hint = false} : vector<128x768xf32>, vector<768x768xf32>, vector<128x768xf32> -> vector<128x768xf32>
    %get3A_6 = arith.constant 0 : index
    %get3A_7 = arith.constant 0 : index
    %get3A_8 = vector.load %arg3[%get3A_6, %get3A_7] : memref<768x768xf32, #tpu.memory_space<vmem>>, vector<768x768xf32>
    %dot_general3A_9 = arith.constant dense<0.000000e+00> : vector<128x768xf32>
    %dot_general3A_10 = tpu.matmul %get3A_1, %get3A_8, %dot_general3A_9 {dimension_numbers = #tpu.dot_dimension_numbers<[1], [0], [0], [1], [0, 0, 1, 1], [], []>, transpose_lhs_hint = false} : vector<128x768xf32>, vector<768x768xf32>, vector<128x768xf32> -> vector<128x768xf32>
    %logistic3A = arith.negf %dot_general3A_5 : vector<128x768xf32>
    %logistic3A_11 = math.exp %logistic3A : vector<128x768xf32>
    %logistic3A_12 = arith.constant 1.000000e+00 : f32
    %logistic3A_13 = vector.broadcast %logistic3A_12 : f32 to vector<128x768xf32>
    %logistic3A_14 = arith.addf %logistic3A_13, %logistic3A_11 : vector<128x768xf32>
    %logistic3A_15 = arith.divf %logistic3A_13, %logistic3A_14 : vector<128x768xf32>
    %mul3A = arith.mulf %dot_general3A_5, %logistic3A_15 : vector<128x768xf32>
    %mul3A_16 = arith.mulf %mul3A, %dot_general3A_10 : vector<128x768xf32>
    %get3A_17 = arith.constant 0 : index
    %get3A_18 = arith.constant 0 : index
    %get3A_19 = vector.load %arg4[%get3A_17, %get3A_18] : memref<768x768xf32, #tpu.memory_space<vmem>>, vector<768x768xf32>
    %dot_general3A_20 = arith.constant dense<0.000000e+00> : vector<128x768xf32>
    %dot_general3A_21 = tpu.matmul %mul3A_16, %get3A_19, %dot_general3A_20 {dimension_numbers = #tpu.dot_dimension_numbers<[1], [0], [0], [1], [0, 0, 1, 1], [], []>, transpose_lhs_hint = false} : vector<128x768xf32>, vector<768x768xf32>, vector<128x768xf32> -> vector<128x768xf32>
    %mul3A_22 = arith.constant 1.000000e-01 : f32
    %mul3A_23 = vector.broadcast %mul3A_22 : f32 to vector<128x768xf32>
    %mul3A_24 = arith.mulf %mul3A_23, %dot_general3A_21 : vector<128x768xf32>
    %get3A_25 = arith.constant 0 : index
    %get3A_26 = arith.constant 0 : index
    %get3A_27 = arith.constant 0 : index
    %get3A_28 = arith.constant 0 : index
    %get3A_29 = vector.load %arg5[%get3A_25, %get3A_26, %get3A_27, %get3A_28] : memref<1x2x128x768xf32, #tpu.memory_space<vmem>>, vector<1x2x128x768xf32>
    %get3A_30 = vector.shape_cast %get3A_29 : vector<1x2x128x768xf32> to vector<2x128x768xf32>
    %get3A_31 = arith.constant 0 : index
    %get3A_32 = arith.constant 0 : index
    %get3A_33 = arith.constant 0 : index
    %get3A_34 = vector.load %arg6[%get3A_31, %get3A_32, %get3A_33] : memref<1x2x128xf32, #tpu.memory_space<vmem>>, vector<1x2x128xf32>
    %get3A_35 = vector.shape_cast %get3A_34 : vector<1x2x128xf32> to vector<2x128xf32>
    %slice3A = vector.extract_strided_slice %get3A_30 {offsets = [0, 0, 0], sizes = [1, 128, 768], strides = [1, 1, 1]} : vector<2x128x768xf32> to vector<1x128x768xf32>
    %squeeze3A = vector.shape_cast %slice3A : vector<1x128x768xf32> to vector<128x768xf32>
    %slice3A_36 = vector.extract_strided_slice %get3A_35 {offsets = [0, 0], sizes = [1, 128], strides = [1, 1]} : vector<2x128xf32> to vector<1x128xf32>
    %squeeze3A_37 = vector.shape_cast %slice3A_36 : vector<1x128xf32> to vector<128xf32>
    %broadcast_in_dim3A = vector.shape_cast %squeeze3A_37 : vector<128xf32> to vector<128x1xf32>
    %mul3A_38 = vector.broadcast %broadcast_in_dim3A : vector<128x1xf32> to vector<128x768xf32>
    %mul3A_39 = arith.mulf %squeeze3A, %mul3A_38 : vector<128x768xf32>
    %add3A = arith.addf %mul3A_24, %mul3A_39 : vector<128x768xf32>
    %slice3A_40 = vector.extract_strided_slice %get3A_30 {offsets = [1, 0, 0], sizes = [1, 128, 768], strides = [1, 1, 1]} : vector<2x128x768xf32> to vector<1x128x768xf32>
    %squeeze3A_41 = vector.shape_cast %slice3A_40 : vector<1x128x768xf32> to vector<128x768xf32>
    %slice3A_42 = vector.extract_strided_slice %get3A_35 {offsets = [1, 0], sizes = [1, 128], strides = [1, 1]} : vector<2x128xf32> to vector<1x128xf32>
    %squeeze3A_43 = vector.shape_cast %slice3A_42 : vector<1x128xf32> to vector<128xf32>
    %broadcast_in_dim3A_44 = vector.shape_cast %squeeze3A_43 : vector<128xf32> to vector<128x1xf32>
    %mul3A_45 = vector.broadcast %broadcast_in_dim3A_44 : vector<128x1xf32> to vector<128x768xf32>
    %mul3A_46 = arith.mulf %squeeze3A_41, %mul3A_45 : vector<128x768xf32>
    %add3A_47 = arith.addf %add3A, %mul3A_46 : vector<128x768xf32>
    %swap3A = arith.constant 0 : index
    %swap3A_48 = arith.constant 0 : index
    %swap3A_49 = vector.load %arg7[%swap3A, %swap3A_48] : memref<128x768xf32, #tpu.memory_space<vmem>>, vector<128x768xf32>
    tpu.vector_store %arg7[%swap3A, %swap3A_48], %add3A_47 {strides = array<i32>} : memref<128x768xf32, #tpu.memory_space<vmem>>, vector<128x768xf32>,
    return
  }
  func.func @transform_0(%arg0: i32) -> (i32, i32) {
    %c0_i32 = arith.constant 0 : i32
    %c0_i32_0 = arith.constant 0 : i32
    return %arg0, %c0_i32 : i32, i32
  }
  func.func @transform_1(%arg0: i32) -> (i32, i32) {
    %c0_i32 = arith.constant 0 : i32
    %c0_i32_0 = arith.constant 0 : i32
    %c0_i32_1 = arith.constant 0 : i32
    return %c0_i32, %c0_i32_0 : i32, i32
  }
  func.func @transform_2(%arg0: i32) -> (i32, i32) {
    %c0_i32 = arith.constant 0 : i32
    %c0_i32_0 = arith.constant 0 : i32
    %c0_i32_1 = arith.constant 0 : i32
    return %c0_i32, %c0_i32_0 : i32, i32
  }
  func.func @transform_3(%arg0: i32) -> (i32, i32) {
    %c0_i32 = arith.constant 0 : i32
    %c0_i32_0 = arith.constant 0 : i32
    %c0_i32_1 = arith.constant 0 : i32
    return %c0_i32, %c0_i32_0 : i32, i32
  }
  func.func @transform_4(%arg0: i32) -> (i32, i32, i32, i32) {
    %c0_i32 = arith.constant 0 : i32
    %c0_i32_0 = arith.constant 0 : i32
    %c0_i32_1 = arith.constant 0 : i32
    %c0_i32_2 = arith.constant 0 : i32
    return %arg0, %c0_i32, %c0_i32_0, %c0_i32_1 : i32, i32, i32, i32
  }
  func.func @transform_5(%arg0: i32) -> (i32, i32, i32) {
    %c0_i32 = arith.constant 0 : i32
    %c0_i32_0 = arith.constant 0 : i32
    %c0_i32_1 = arith.constant 0 : i32
    return %arg0, %c0_i32, %c0_i32_0 : i32, i32, i32
  }
  func.func @transform_6(%arg0: i32) -> (i32, i32) {
    %c0_i32 = arith.constant 0 : i32
    %c0_i32_0 = arith.constant 0 : i32
    return %arg0, %c0_i32 : i32, i32
  }
}

module attributes {stable_mosaic.version = 14 : i64} {
  func.func @_router_body(%arg0: i32, %arg1: memref<128x768xf32, #tpu.memory_space<vmem>>, %arg2: memref<64x768xf32, #tpu.memory_space<vmem>>, %arg3: memref<1x64xf32, #tpu.memory_space<vmem>>, %arg4: memref<1x2x128xf32, #tpu.memory_space<vmem>>, %arg5: memref<1x2x128xi32, #tpu.memory_space<vmem>>, %arg6: memref<16x2x128xi32, #tpu.memory_space<vmem>>, %arg7: memref<1x96xi32, #tpu.memory_space<vmem>>, %arg8: memref<1x96xi32, #tpu.memory_space<vmem>>, %arg9: memref<1x64xf32, #tpu.memory_space<vmem>>, %arg10: memref<16x2x128xf32, #tpu.memory_space<vmem>>, %arg11: memref<16x2x128xf32, #tpu.memory_space<vmem>>) attributes {dimension_semantics = [#tpu.dimension_semantics<arbitrary>], iteration_bounds = array<i64: 16>, scalar_prefetch = 0 : i64, scratch_operands = 3 : i64, tpu.core_type = #tpu.core_type<tc>, window_params = [{transform_indices = @transform_0, window_bounds = array<i64: 128, 768>}, {pipeline_mode = #tpu.pipeline_mode<synchronous>, transform_indices = @transform_1, window_bounds = array<i64: 64, 768>}, {pipeline_mode = #tpu.pipeline_mode<synchronous>, transform_indices = @transform_2, window_bounds = array<i64: 1, 64>}, {transform_indices = @transform_3, window_bounds = array<i64: 1, 2, 128>}, {transform_indices = @transform_4, window_bounds = array<i64: 1, 2, 128>}, {pipeline_mode = #tpu.pipeline_mode<synchronous>, transform_indices = @transform_5, window_bounds = array<i64: 16, 2, 128>}, {pipeline_mode = #tpu.pipeline_mode<synchronous>, transform_indices = @transform_6, window_bounds = array<i64: 1, 96>}, {pipeline_mode = #tpu.pipeline_mode<synchronous>, transform_indices = @transform_7, window_bounds = array<i64: 1, 96>}]} {
    %eq3A = arith.constant 0 : i32
    %eq3A_0 = arith.cmpi eq, %arg0, %eq3A : i32
    %convert_element_type3A = arith.extui %eq3A_0 : i1 to i32
    %cond3A = arith.constant 0 : i32
    %cond3A_1 = arith.cmpi ne, %convert_element_type3A, %cond3A : i32
    scf.if %cond3A_1 {
      %broadcast_in_dim3A_130 = arith.constant 0.000000e+00 : f32
      %broadcast_in_dim3A_131 = vector.broadcast %broadcast_in_dim3A_130 : f32 to vector<1x64xf32>
      %swap3A_132 = arith.constant 0 : index
      %swap3A_133 = arith.constant 0 : index
      %swap3A_134 = vector.load %arg9[%swap3A_132, %swap3A_133] : memref<1x64xf32, #tpu.memory_space<vmem>>, vector<1x64xf32>
      tpu.vector_store %arg9[%swap3A_132, %swap3A_133], %broadcast_in_dim3A_131 {strides = array<i32>} : memref<1x64xf32, #tpu.memory_space<vmem>>, vector<1x64xf32>,
    } else {
    }
    %get3A = arith.constant 0 : index
    %get3A_2 = arith.constant 0 : index
    %get3A_3 = vector.load %arg1[%get3A, %get3A_2] : memref<128x768xf32, #tpu.memory_space<vmem>>, vector<128x768xf32>
    %get3A_4 = arith.constant 0 : index
    %get3A_5 = arith.constant 0 : index
    %get3A_6 = vector.load %arg2[%get3A_4, %get3A_5] : memref<64x768xf32, #tpu.memory_space<vmem>>, vector<64x768xf32>
    %dot_general3A = arith.constant dense<0.000000e+00> : vector<128x64xf32>
    %dot_general3A_7 = tpu.matmul %get3A_3, %get3A_6, %dot_general3A {dimension_numbers = #tpu.dot_dimension_numbers<[1], [1], [0], [0], [0, 0, 1, 0], [], []>, transpose_lhs_hint = false} : vector<128x768xf32>, vector<64x768xf32>, vector<128x64xf32> -> vector<128x64xf32>
    %logistic3A = arith.negf %dot_general3A_7 : vector<128x64xf32>
    %logistic3A_8 = math.exp %logistic3A : vector<128x64xf32>
    %logistic3A_9 = arith.constant 1.000000e+00 : f32
    %logistic3A_10 = vector.broadcast %logistic3A_9 : f32 to vector<128x64xf32>
    %logistic3A_11 = arith.addf %logistic3A_10, %logistic3A_8 : vector<128x64xf32>
    %logistic3A_12 = arith.divf %logistic3A_10, %logistic3A_11 : vector<128x64xf32>
    %get3A_13 = arith.constant 0 : index
    %get3A_14 = arith.constant 0 : index
    %get3A_15 = vector.load %arg3[%get3A_13, %get3A_14] : memref<1x64xf32, #tpu.memory_space<vmem>>, vector<1x64xf32>
    %add3A = vector.broadcast %get3A_15 : vector<1x64xf32> to vector<128x64xf32>
    %add3A_16 = arith.addf %logistic3A_12, %add3A : vector<128x64xf32>
    %iota3A = tpu.iota {dimensions = array<i32: 1>} : vector<128x64xi32>
    %convert_element_type3A_17 = arith.sitofp %iota3A : vector<128x64xi32> to vector<128x64xf32>
    %reduce_max3A = arith.constant dense<0xFF800000> : vector<128xf32>
    %reduce_max3A_18 = vector.multi_reduction <maximumf>, %add3A_16, %reduce_max3A [1] : vector<128x64xf32> to vector<128xf32>
    %broadcast_in_dim3A = vector.shape_cast %reduce_max3A_18 : vector<128xf32> to vector<128x1xf32>
    %ge3A = vector.broadcast %broadcast_in_dim3A : vector<128x1xf32> to vector<128x64xf32>
    %ge3A_19 = arith.cmpf oge, %add3A_16, %ge3A : vector<128x64xf32>
    %jit3A = arith.constant 6.400000e+01 : f32
    %broadcast_in_dim3A_20 = vector.broadcast %jit3A : f32 to vector<128x64xf32>
    %select_n3A = arith.select %ge3A_19, %convert_element_type3A_17, %broadcast_in_dim3A_20 : vector<128x64xi1>, vector<128x64xf32>
    %reduce_min3A = arith.constant dense<0x7F800000> : vector<128xf32>
    %reduce_min3A_21 = vector.multi_reduction <minimumf>, %select_n3A, %reduce_min3A [1] : vector<128x64xf32> to vector<128xf32>
    %broadcast_in_dim3A_22 = vector.shape_cast %reduce_min3A_21 : vector<128xf32> to vector<128x1xf32>
    %eq3A_23 = vector.broadcast %broadcast_in_dim3A_22 : vector<128x1xf32> to vector<128x64xf32>
    %eq3A_24 = arith.cmpf oeq, %convert_element_type3A_17, %eq3A_23 : vector<128x64xf32>
    %convert_element_type3A_25 = arith.extui %eq3A_24 : vector<128x64xi1> to vector<128x64xi32>
    %convert_element_type3A_26 = arith.sitofp %convert_element_type3A_25 : vector<128x64xi32> to vector<128x64xf32>
    %gt3A = arith.constant 0.000000e+00 : f32
    %gt3A_27 = vector.broadcast %gt3A : f32 to vector<128x64xf32>
    %gt3A_28 = arith.cmpf ogt, %convert_element_type3A_26, %gt3A_27 : vector<128x64xf32>
    %jit3A_29 = arith.constant 0xFF800000 : f32
    %broadcast_in_dim3A_30 = vector.broadcast %jit3A_29 : f32 to vector<128x64xf32>
    %select_n3A_31 = arith.select %gt3A_28, %broadcast_in_dim3A_30, %add3A_16 : vector<128x64xi1>, vector<128x64xf32>
    %reduce_max3A_32 = arith.constant dense<0xFF800000> : vector<128xf32>
    %reduce_max3A_33 = vector.multi_reduction <maximumf>, %select_n3A_31, %reduce_max3A_32 [1] : vector<128x64xf32> to vector<128xf32>
    %broadcast_in_dim3A_34 = vector.shape_cast %reduce_max3A_33 : vector<128xf32> to vector<128x1xf32>
    %ge3A_35 = vector.broadcast %broadcast_in_dim3A_34 : vector<128x1xf32> to vector<128x64xf32>
    %ge3A_36 = arith.cmpf oge, %select_n3A_31, %ge3A_35 : vector<128x64xf32>
    %jit3A_37 = arith.constant 6.400000e+01 : f32
    %broadcast_in_dim3A_38 = vector.broadcast %jit3A_37 : f32 to vector<128x64xf32>
    %select_n3A_39 = arith.select %ge3A_36, %convert_element_type3A_17, %broadcast_in_dim3A_38 : vector<128x64xi1>, vector<128x64xf32>
    %reduce_min3A_40 = arith.constant dense<0x7F800000> : vector<128xf32>
    %reduce_min3A_41 = vector.multi_reduction <minimumf>, %select_n3A_39, %reduce_min3A_40 [1] : vector<128x64xf32> to vector<128xf32>
    %broadcast_in_dim3A_42 = vector.shape_cast %reduce_min3A_41 : vector<128xf32> to vector<128x1xf32>
    %eq3A_43 = vector.broadcast %broadcast_in_dim3A_42 : vector<128x1xf32> to vector<128x64xf32>
    %eq3A_44 = arith.cmpf oeq, %convert_element_type3A_17, %eq3A_43 : vector<128x64xf32>
    %convert_element_type3A_45 = arith.extui %eq3A_44 : vector<128x64xi1> to vector<128x64xi32>
    %convert_element_type3A_46 = arith.sitofp %convert_element_type3A_45 : vector<128x64xi32> to vector<128x64xf32>
    %mul3A = arith.mulf %logistic3A_12, %convert_element_type3A_26 : vector<128x64xf32>
    %reduce_sum3A = arith.constant dense<0.000000e+00> : vector<128xf32>
    %reduce_sum3A_47 = vector.multi_reduction <add>, %mul3A, %reduce_sum3A [1] : vector<128x64xf32> to vector<128xf32>
    %broadcast_in_dim3A_48 = vector.shape_cast %reduce_sum3A_47 : vector<128xf32> to vector<128x1xf32>
    %mul3A_49 = arith.mulf %logistic3A_12, %convert_element_type3A_46 : vector<128x64xf32>
    %reduce_sum3A_50 = arith.constant dense<0.000000e+00> : vector<128xf32>
    %reduce_sum3A_51 = vector.multi_reduction <add>, %mul3A_49, %reduce_sum3A_50 [1] : vector<128x64xf32> to vector<128xf32>
    %broadcast_in_dim3A_52 = vector.shape_cast %reduce_sum3A_51 : vector<128xf32> to vector<128x1xf32>
    %add3A_53 = arith.addf %broadcast_in_dim3A_48, %broadcast_in_dim3A_52 : vector<128x1xf32>
    %add3A_54 = arith.constant 9.99999968E-21 : f32
    %add3A_55 = vector.broadcast %add3A_54 : f32 to vector<128x1xf32>
    %add3A_56 = arith.addf %add3A_53, %add3A_55 : vector<128x1xf32>
    %div3A = arith.divf %broadcast_in_dim3A_48, %add3A_56 : vector<128x1xf32>
    %div3A_57 = arith.divf %broadcast_in_dim3A_52, %add3A_56 : vector<128x1xf32>
    %iota3A_58 = tpu.iota {dimensions = array<i32: 0>} : vector<128x128xi32>
    %iota3A_59 = tpu.iota {dimensions = array<i32: 1>} : vector<128x128xi32>
    %ge3A_60 = arith.cmpi sge, %iota3A_58, %iota3A_59 : vector<128x128xi32>
    %convert_element_type3A_61 = arith.extui %ge3A_60 : vector<128x128xi1> to vector<128x128xi32>
    %convert_element_type3A_62 = arith.sitofp %convert_element_type3A_61 : vector<128x128xi32> to vector<128x128xf32>
    %dot_general3A_63 = arith.constant dense<0.000000e+00> : vector<128x64xf32>
    %dot_general3A_64 = tpu.matmul %convert_element_type3A_62, %convert_element_type3A_26, %dot_general3A_63 {dimension_numbers = #tpu.dot_dimension_numbers<[1], [0], [0], [1], [0, 0, 1, 1], [], []>, transpose_lhs_hint = false} : vector<128x128xf32>, vector<128x64xf32>, vector<128x64xf32> -> vector<128x64xf32>
    %dot_general3A_65 = arith.constant dense<0.000000e+00> : vector<128x64xf32>
    %dot_general3A_66 = tpu.matmul %convert_element_type3A_62, %convert_element_type3A_46, %dot_general3A_65 {dimension_numbers = #tpu.dot_dimension_numbers<[1], [0], [0], [1], [0, 0, 1, 1], [], []>, transpose_lhs_hint = false} : vector<128x128xf32>, vector<128x64xf32>, vector<128x64xf32> -> vector<128x64xf32>
    %reduce_sum3A_67 = arith.constant dense<0.000000e+00> : vector<64xf32>
    %reduce_sum3A_68 = vector.multi_reduction <add>, %convert_element_type3A_26, %reduce_sum3A_67 [0] : vector<128x64xf32> to vector<64xf32>
    %broadcast_in_dim3A_69 = vector.shape_cast %reduce_sum3A_68 : vector<64xf32> to vector<1x64xf32>
    %reduce_sum3A_70 = arith.constant dense<0.000000e+00> : vector<64xf32>
    %reduce_sum3A_71 = vector.multi_reduction <add>, %convert_element_type3A_46, %reduce_sum3A_70 [0] : vector<128x64xf32> to vector<64xf32>
    %broadcast_in_dim3A_72 = vector.shape_cast %reduce_sum3A_71 : vector<64xf32> to vector<1x64xf32>
    %get3A_73 = arith.constant 0 : index
    %get3A_74 = arith.constant 0 : index
    %get3A_75 = vector.load %arg9[%get3A_73, %get3A_74] : memref<1x64xf32, #tpu.memory_space<vmem>>, vector<1x64xf32>
    %sub3A = arith.constant 1.000000e+00 : f32
    %sub3A_76 = vector.broadcast %sub3A : f32 to vector<128x64xf32>
    %sub3A_77 = arith.subf %dot_general3A_64, %sub3A_76 : vector<128x64xf32>
    %add3A_78 = vector.broadcast %get3A_75 : vector<1x64xf32> to vector<128x64xf32>
    %add3A_79 = arith.addf %sub3A_77, %add3A_78 : vector<128x64xf32>
    %mul3A_80 = arith.mulf %convert_element_type3A_26, %add3A_79 : vector<128x64xf32>
    %reduce_sum3A_81 = arith.constant dense<0.000000e+00> : vector<128xf32>
    %reduce_sum3A_82 = vector.multi_reduction <add>, %mul3A_80, %reduce_sum3A_81 [1] : vector<128x64xf32> to vector<128xf32>
    %sub3A_83 = arith.constant 1.000000e+00 : f32
    %sub3A_84 = vector.broadcast %sub3A_83 : f32 to vector<128x64xf32>
    %sub3A_85 = arith.subf %dot_general3A_66, %sub3A_84 : vector<128x64xf32>
    %add3A_86 = vector.broadcast %get3A_75 : vector<1x64xf32> to vector<128x64xf32>
    %add3A_87 = arith.addf %sub3A_85, %add3A_86 : vector<128x64xf32>
    %add3A_88 = vector.broadcast %broadcast_in_dim3A_69 : vector<1x64xf32> to vector<128x64xf32>
    %add3A_89 = arith.addf %add3A_87, %add3A_88 : vector<128x64xf32>
    %mul3A_90 = arith.mulf %convert_element_type3A_46, %add3A_89 : vector<128x64xf32>
    %reduce_sum3A_91 = arith.constant dense<0.000000e+00> : vector<128xf32>
    %reduce_sum3A_92 = vector.multi_reduction <add>, %mul3A_90, %reduce_sum3A_91 [1] : vector<128x64xf32> to vector<128xf32>
    %add3A_93 = arith.addf %get3A_75, %broadcast_in_dim3A_69 : vector<1x64xf32>
    %add3A_94 = arith.addf %add3A_93, %broadcast_in_dim3A_72 : vector<1x64xf32>
    %swap3A = arith.constant 0 : index
    %swap3A_95 = arith.constant 0 : index
    %swap3A_96 = vector.load %arg9[%swap3A, %swap3A_95] : memref<1x64xf32, #tpu.memory_space<vmem>>, vector<1x64xf32>
    tpu.vector_store %arg9[%swap3A, %swap3A_95], %add3A_94 {strides = array<i32>} : memref<1x64xf32, #tpu.memory_space<vmem>>, vector<1x64xf32>,
    %reshape3A = vector.shape_cast %broadcast_in_dim3A_22 : vector<128x1xf32> to vector<1x1x128xf32>
    %reshape3A_97 = vector.shape_cast %broadcast_in_dim3A_42 : vector<128x1xf32> to vector<1x1x128xf32>
    %concatenate3A = tpu.concatenate %reshape3A, %reshape3A_97 in 1 : vector<1x1x128xf32>, vector<1x1x128xf32> -> vector<1x2x128xf32>
    %swap3A_98 = arith.index_cast %arg0 : i32 to index
    %swap3A_99 = arith.constant 0 : index
    %swap3A_100 = arith.constant 0 : index
    %swap3A_101 = vector.load %arg10[%swap3A_98, %swap3A_99, %swap3A_100] : memref<16x2x128xf32, #tpu.memory_space<vmem>>, vector<1x2x128xf32>
    tpu.vector_store %arg10[%swap3A_98, %swap3A_99, %swap3A_100], %concatenate3A {strides = array<i32>} : memref<16x2x128xf32, #tpu.memory_space<vmem>>, vector<1x2x128xf32>,
    %reshape3A_102 = vector.shape_cast %reduce_sum3A_82 : vector<128xf32> to vector<1x1x128xf32>
    %reshape3A_103 = vector.shape_cast %reduce_sum3A_92 : vector<128xf32> to vector<1x1x128xf32>
    %concatenate3A_104 = tpu.concatenate %reshape3A_102, %reshape3A_103 in 1 : vector<1x1x128xf32>, vector<1x1x128xf32> -> vector<1x2x128xf32>
    %swap3A_105 = arith.index_cast %arg0 : i32 to index
    %swap3A_106 = arith.constant 0 : index
    %swap3A_107 = arith.constant 0 : index
    %swap3A_108 = vector.load %arg11[%swap3A_105, %swap3A_106, %swap3A_107] : memref<16x2x128xf32, #tpu.memory_space<vmem>>, vector<1x2x128xf32>
    tpu.vector_store %arg11[%swap3A_105, %swap3A_106, %swap3A_107], %concatenate3A_104 {strides = array<i32>} : memref<16x2x128xf32, #tpu.memory_space<vmem>>, vector<1x2x128xf32>,
    %reshape3A_109 = vector.shape_cast %div3A : vector<128x1xf32> to vector<1x1x128xf32>
    %reshape3A_110 = vector.shape_cast %div3A_57 : vector<128x1xf32> to vector<1x1x128xf32>
    %concatenate3A_111 = tpu.concatenate %reshape3A_109, %reshape3A_110 in 1 : vector<1x1x128xf32>, vector<1x1x128xf32> -> vector<1x2x128xf32>
    %swap3A_112 = arith.constant 0 : index
    %swap3A_113 = arith.constant 0 : index
    %swap3A_114 = arith.constant 0 : index
    %swap3A_115 = vector.load %arg4[%swap3A_112, %swap3A_113, %swap3A_114] : memref<1x2x128xf32, #tpu.memory_space<vmem>>, vector<1x2x128xf32>
    tpu.vector_store %arg4[%swap3A_112, %swap3A_113, %swap3A_114], %concatenate3A_111 {strides = array<i32>} : memref<1x2x128xf32, #tpu.memory_space<vmem>>, vector<1x2x128xf32>,
    %iota3A_116 = tpu.iota {dimensions = array<i32: 2>} : vector<1x2x128xi32>
    %mul3A_117 = arith.constant 128 : i32
    %mul3A_118 = arith.muli %arg0, %mul3A_117 : i32
    %add3A_119 = vector.broadcast %mul3A_118 : i32 to vector<1x2x128xi32>
    %add3A_120 = arith.addi %iota3A_116, %add3A_119 : vector<1x2x128xi32>
    %swap3A_121 = arith.constant 0 : index
    %swap3A_122 = arith.constant 0 : index
    %swap3A_123 = arith.constant 0 : index
    %swap3A_124 = vector.load %arg5[%swap3A_121, %swap3A_122, %swap3A_123] : memref<1x2x128xi32, #tpu.memory_space<vmem>>, vector<1x2x128xi32>
    tpu.vector_store %arg5[%swap3A_121, %swap3A_122, %swap3A_123], %add3A_120 {strides = array<i32>} : memref<1x2x128xi32, #tpu.memory_space<vmem>>, vector<1x2x128xi32>,
    %eq3A_125 = arith.constant 15 : i32
    %eq3A_126 = arith.cmpi eq, %arg0, %eq3A_125 : i32
    %convert_element_type3A_127 = arith.extui %eq3A_126 : i1 to i32
    %cond3A_128 = arith.constant 0 : i32
    %cond3A_129 = arith.cmpi ne, %convert_element_type3A_127, %cond3A_128 : i32
    scf.if %cond3A_129 {
      %add3A_130 = arith.constant 1.270000e+02 : f32
      %add3A_131 = vector.broadcast %add3A_130 : f32 to vector<1x64xf32>
      %add3A_132 = arith.addf %add3A_94, %add3A_131 : vector<1x64xf32>
      %mul3A_133 = arith.constant 7.812500e-03 : f32
      %mul3A_134 = vector.broadcast %mul3A_133 : f32 to vector<1x64xf32>
      %mul3A_135 = arith.mulf %add3A_132, %mul3A_134 : vector<1x64xf32>
      %floor3A = math.floor %mul3A_135 : vector<1x64xf32>
      %mul3A_136 = arith.constant 1.280000e+02 : f32
      %mul3A_137 = vector.broadcast %mul3A_136 : f32 to vector<1x64xf32>
      %mul3A_138 = arith.mulf %floor3A, %mul3A_137 : vector<1x64xf32>
      %iota3A_139 = tpu.iota {dimensions = array<i32: 0>} : vector<64x64xi32>
      %iota3A_140 = tpu.iota {dimensions = array<i32: 1>} : vector<64x64xi32>
      %lt3A = arith.cmpi slt, %iota3A_139, %iota3A_140 : vector<64x64xi32>
      %convert_element_type3A_141 = arith.extui %lt3A : vector<64x64xi1> to vector<64x64xi32>
      %convert_element_type3A_142 = arith.sitofp %convert_element_type3A_141 : vector<64x64xi32> to vector<64x64xf32>
      %dot_general3A_143 = arith.constant dense<0.000000e+00> : vector<1x64xf32>
      %dot_general3A_144 = tpu.matmul %mul3A_138, %convert_element_type3A_142, %dot_general3A_143 {dimension_numbers = #tpu.dot_dimension_numbers<[1], [0], [0], [1], [0, 0, 1, 1], [], []>, transpose_lhs_hint = false} : vector<1x64xf32>, vector<64x64xf32>, vector<1x64xf32> -> vector<1x64xf32>
      %get3A_145 = arith.constant 0 : index
      %get3A_146 = arith.constant 0 : index
      %get3A_147 = arith.constant 0 : index
      %get3A_148 = vector.load %arg10[%get3A_145, %get3A_146, %get3A_147] : memref<16x2x128xf32, #tpu.memory_space<vmem>>, vector<16x2x128xf32>
      %broadcast_in_dim3A_149 = vector.shape_cast %get3A_148 : vector<16x2x128xf32> to vector<16x2x128x1xf32>
      %iota3A_150 = tpu.iota {dimensions = array<i32: 3>} : vector<16x2x128x64xi32>
      %convert_element_type3A_151 = arith.sitofp %iota3A_150 : vector<16x2x128x64xi32> to vector<16x2x128x64xf32>
      %eq3A_152 = vector.broadcast %broadcast_in_dim3A_149 : vector<16x2x128x1xf32> to vector<16x2x128x64xf32>
      %eq3A_153 = arith.cmpf oeq, %eq3A_152, %convert_element_type3A_151 : vector<16x2x128x64xf32>
      %convert_element_type3A_154 = arith.extui %eq3A_153 : vector<16x2x128x64xi1> to vector<16x2x128x64xi32>
      %convert_element_type3A_155 = arith.sitofp %convert_element_type3A_154 : vector<16x2x128x64xi32> to vector<16x2x128x64xf32>
      %reshape3A_156 = vector.shape_cast %dot_general3A_144 : vector<1x64xf32> to vector<1x1x1x64xf32>
      %mul3A_157 = vector.broadcast %reshape3A_156 : vector<1x1x1x64xf32> to vector<16x2x128x64xf32>
      %mul3A_158 = arith.mulf %convert_element_type3A_155, %mul3A_157 : vector<16x2x128x64xf32>
      %reduce_sum3A_159 = arith.constant dense<0.000000e+00> : vector<16x2x128xf32>
      %reduce_sum3A_160 = vector.multi_reduction <add>, %mul3A_158, %reduce_sum3A_159 [3] : vector<16x2x128x64xf32> to vector<16x2x128xf32>
      %get3A_161 = arith.constant 0 : index
      %get3A_162 = arith.constant 0 : index
      %get3A_163 = arith.constant 0 : index
      %get3A_164 = vector.load %arg11[%get3A_161, %get3A_162, %get3A_163] : memref<16x2x128xf32, #tpu.memory_space<vmem>>, vector<16x2x128xf32>
      %add3A_165 = arith.addf %reduce_sum3A_160, %get3A_164 : vector<16x2x128xf32>
      %convert_element_type3A_166 = arith.fptosi %add3A_165 : vector<16x2x128xf32> to vector<16x2x128xi32>
      %swap3A_167 = arith.constant 0 : index
      %swap3A_168 = arith.constant 0 : index
      %swap3A_169 = arith.constant 0 : index
      %swap3A_170 = vector.load %arg6[%swap3A_167, %swap3A_168, %swap3A_169] : memref<16x2x128xi32, #tpu.memory_space<vmem>>, vector<16x2x128xi32>
      tpu.vector_store %arg6[%swap3A_167, %swap3A_168, %swap3A_169], %convert_element_type3A_166 {strides = array<i32>} : memref<16x2x128xi32, #tpu.memory_space<vmem>>, vector<16x2x128xi32>,
      %mul3A_171 = arith.constant 7.812500e-03 : f32
      %mul3A_172 = vector.broadcast %mul3A_171 : f32 to vector<1x64xf32>
      %mul3A_173 = arith.mulf %dot_general3A_144, %mul3A_172 : vector<1x64xf32>
      %add3A_174 = arith.addf %dot_general3A_144, %mul3A_138 : vector<1x64xf32>
      %mul3A_175 = arith.constant 7.812500e-03 : f32
      %mul3A_176 = vector.broadcast %mul3A_175 : f32 to vector<1x64xf32>
      %mul3A_177 = arith.mulf %add3A_174, %mul3A_176 : vector<1x64xf32>
      %iota3A_178 = tpu.iota {dimensions = array<i32: 0>} : vector<96x64xi32>
      %convert_element_type3A_179 = arith.sitofp %iota3A_178 : vector<96x64xi32> to vector<96x64xf32>
      %ge3A_180 = vector.broadcast %mul3A_173 : vector<1x64xf32> to vector<96x64xf32>
      %ge3A_181 = arith.cmpf oge, %convert_element_type3A_179, %ge3A_180 : vector<96x64xf32>
      %lt3A_182 = vector.broadcast %mul3A_177 : vector<1x64xf32> to vector<96x64xf32>
      %lt3A_183 = arith.cmpf olt, %convert_element_type3A_179, %lt3A_182 : vector<96x64xf32>
      %and3A = arith.andi %ge3A_181, %lt3A_183 : vector<96x64xi1>
      %iota3A_184 = tpu.iota {dimensions = array<i32: 1>} : vector<96x64xi32>
      %convert_element_type3A_185 = arith.sitofp %iota3A_184 : vector<96x64xi32> to vector<96x64xf32>
      %jit3A_186 = arith.constant 0.000000e+00 : f32
      %broadcast_in_dim3A_187 = vector.broadcast %jit3A_186 : f32 to vector<96x64xf32>
      %select_n3A_188 = arith.select %and3A, %convert_element_type3A_185, %broadcast_in_dim3A_187 : vector<96x64xi1>, vector<96x64xf32>
      %reduce_sum3A_189 = arith.constant dense<0.000000e+00> : vector<96xf32>
      %reduce_sum3A_190 = vector.multi_reduction <add>, %select_n3A_188, %reduce_sum3A_189 [1] : vector<96x64xf32> to vector<96xf32>
      %gt3A_191 = arith.constant 0.000000e+00 : f32
      %gt3A_192 = vector.broadcast %gt3A_191 : f32 to vector<1x64xf32>
      %gt3A_193 = arith.cmpf ogt, %mul3A_138, %gt3A_192 : vector<1x64xf32>
      %iota3A_194 = tpu.iota {dimensions = array<i32: 1>} : vector<1x64xi32>
      %convert_element_type3A_195 = arith.sitofp %iota3A_194 : vector<1x64xi32> to vector<1x64xf32>
      %jit3A_196 = arith.constant -1.000000e+00 : f32
      %broadcast_in_dim3A_197 = vector.broadcast %jit3A_196 : f32 to vector<1x64xf32>
      %select_n3A_198 = arith.select %gt3A_193, %convert_element_type3A_195, %broadcast_in_dim3A_197 : vector<1x64xi1>, vector<1x64xf32>
      %reduce_max3A_199 = vector.shape_cast %select_n3A_198 : vector<1x64xf32> to vector<1x1x64xf32>
      %reduce_max3A_200 = arith.constant dense<0xFF800000> : vector<1xf32>
      %reduce_max3A_201 = vector.multi_reduction <maximumf>, %reduce_max3A_199, %reduce_max3A_200 [1, 2] : vector<1x1x64xf32> to vector<1xf32>
      %reduce_max3A_202 = vector.shape_cast %reduce_max3A_201 : vector<1xf32> to vector<1x1x1xf32>
      %reduce_max3A_203 = vector.extract %reduce_max3A_202[0, 0, 0] : f32 from vector<1x1x1xf32>
      %max3A = arith.constant 0.000000e+00 : f32
      %max3A_204 = arith.maximumf %reduce_max3A_203, %max3A : f32
      %slice3A = vector.extract_strided_slice %convert_element_type3A_179 {offsets = [0, 0], sizes = [96, 1], strides = [1, 1]} : vector<96x64xf32> to vector<96x1xf32>
      %reduce_sum3A_205 = vector.shape_cast %mul3A_138 : vector<1x64xf32> to vector<1x1x64xf32>
      %reduce_sum3A_206 = arith.constant dense<0.000000e+00> : vector<1xf32>
      %reduce_sum3A_207 = vector.multi_reduction <add>, %reduce_sum3A_205, %reduce_sum3A_206 [1, 2] : vector<1x1x64xf32> to vector<1xf32>
      %reduce_sum3A_208 = vector.shape_cast %reduce_sum3A_207 : vector<1xf32> to vector<1x1x1xf32>
      %reduce_sum3A_209 = vector.extract %reduce_sum3A_208[0, 0, 0] : f32 from vector<1x1x1xf32>
      %mul3A_210 = arith.constant 7.812500e-03 : f32
      %mul3A_211 = arith.mulf %reduce_sum3A_209, %mul3A_210 : f32
      %lt3A_212 = vector.broadcast %mul3A_211 : f32 to vector<96x1xf32>
      %lt3A_213 = arith.cmpf olt, %slice3A, %lt3A_212 : vector<96x1xf32>
      %squeeze3A = vector.shape_cast %lt3A_213 : vector<96x1xi1> to vector<96xi1>
      %broadcast_in_dim3A_214 = vector.broadcast %max3A_204 : f32 to vector<96xf32>
      %select_n3A_215 = arith.select %squeeze3A, %reduce_sum3A_190, %broadcast_in_dim3A_214 : vector<96xi1>, vector<96xf32>
      %reshape3A_216 = vector.shape_cast %select_n3A_215 : vector<96xf32> to vector<1x96xf32>
      %convert_element_type3A_217 = arith.fptosi %reshape3A_216 : vector<1x96xf32> to vector<1x96xi32>
      %swap3A_218 = arith.constant 0 : index
      %swap3A_219 = arith.constant 0 : index
      %swap3A_220 = vector.load %arg7[%swap3A_218, %swap3A_219] : memref<1x96xi32, #tpu.memory_space<vmem>>, vector<1x96xi32>
      tpu.vector_store %arg7[%swap3A_218, %swap3A_219], %convert_element_type3A_217 {strides = array<i32>} : memref<1x96xi32, #tpu.memory_space<vmem>>, vector<1x96xi32>,
      %reduce_sum3A_221 = vector.shape_cast %mul3A_138 : vector<1x64xf32> to vector<1x1x64xf32>
      %reduce_sum3A_222 = arith.constant dense<0.000000e+00> : vector<1xf32>
      %reduce_sum3A_223 = vector.multi_reduction <add>, %reduce_sum3A_221, %reduce_sum3A_222 [1, 2] : vector<1x1x64xf32> to vector<1xf32>
      %reduce_sum3A_224 = vector.shape_cast %reduce_sum3A_223 : vector<1xf32> to vector<1x1x1xf32>
      %reduce_sum3A_225 = vector.extract %reduce_sum3A_224[0, 0, 0] : f32 from vector<1x1x1xf32>
      %mul3A_226 = arith.constant 7.812500e-03 : f32
      %mul3A_227 = arith.mulf %reduce_sum3A_225, %mul3A_226 : f32
      %iota3A_228 = tpu.iota {dimensions = array<i32: 1>} : vector<1x96xi32>
      %convert_element_type3A_229 = arith.sitofp %iota3A_228 : vector<1x96xi32> to vector<1x96xf32>
      %lt3A_230 = vector.broadcast %mul3A_227 : f32 to vector<1x96xf32>
      %lt3A_231 = arith.cmpf olt, %convert_element_type3A_229, %lt3A_230 : vector<1x96xf32>
      %convert_element_type3A_232 = arith.extui %lt3A_231 : vector<1x96xi1> to vector<1x96xi32>
      %swap3A_233 = arith.constant 0 : index
      %swap3A_234 = arith.constant 0 : index
      %swap3A_235 = vector.load %arg8[%swap3A_233, %swap3A_234] : memref<1x96xi32, #tpu.memory_space<vmem>>, vector<1x96xi32>
      tpu.vector_store %arg8[%swap3A_233, %swap3A_234], %convert_element_type3A_232 {strides = array<i32>} : memref<1x96xi32, #tpu.memory_space<vmem>>, vector<1x96xi32>,
    } else {
    }
    return
  }
  func.func @transform_0(%arg0: i32) -> (i32, i32) {
    %c0_i32 = arith.constant 0 : i32
    %c0_i32_0 = arith.constant 0 : i32
    return %arg0, %c0_i32 : i32, i32
  }
  func.func @transform_1(%arg0: i32) -> (i32, i32) {
    %c0_i32 = arith.constant 0 : i32
    %c0_i32_0 = arith.constant 0 : i32
    %c0_i32_1 = arith.constant 0 : i32
    return %c0_i32, %c0_i32_0 : i32, i32
  }
  func.func @transform_2(%arg0: i32) -> (i32, i32) {
    %c0_i32 = arith.constant 0 : i32
    %c0_i32_0 = arith.constant 0 : i32
    %c0_i32_1 = arith.constant 0 : i32
    return %c0_i32, %c0_i32_0 : i32, i32
  }
  func.func @transform_3(%arg0: i32) -> (i32, i32, i32) {
    %c0_i32 = arith.constant 0 : i32
    %c0_i32_0 = arith.constant 0 : i32
    %c0_i32_1 = arith.constant 0 : i32
    return %arg0, %c0_i32, %c0_i32_0 : i32, i32, i32
  }
  func.func @transform_4(%arg0: i32) -> (i32, i32, i32) {
    %c0_i32 = arith.constant 0 : i32
    %c0_i32_0 = arith.constant 0 : i32
    %c0_i32_1 = arith.constant 0 : i32
    return %arg0, %c0_i32, %c0_i32_0 : i32, i32, i32
  }
  func.func @transform_5(%arg0: i32) -> (i32, i32, i32) {
    %c0_i32 = arith.constant 0 : i32
    %c0_i32_0 = arith.constant 0 : i32
    %c0_i32_1 = arith.constant 0 : i32
    %c0_i32_2 = arith.constant 0 : i32
    return %c0_i32, %c0_i32_0, %c0_i32_1 : i32, i32, i32
  }
  func.func @transform_6(%arg0: i32) -> (i32, i32) {
    %c0_i32 = arith.constant 0 : i32
    %c0_i32_0 = arith.constant 0 : i32
    %c0_i32_1 = arith.constant 0 : i32
    return %c0_i32, %c0_i32_0 : i32, i32
  }
  func.func @transform_7(%arg0: i32) -> (i32, i32) {
    %c0_i32 = arith.constant 0 : i32
    %c0_i32_0 = arith.constant 0 : i32
    %c0_i32_1 = arith.constant 0 : i32
    return %c0_i32, %c0_i32_0 : i32, i32
  }
}

</mosaic_0001>

<sc_bundles>
// kernel: kernel.10.cloned.1.call-start
scs
__scs_entry_jumppad:
0x0: {  	(pc) =	sbr.rel $0x88, $3  }
0x1: {  	(tag) =	ssettag $0x0;
	lr =	simm.s32 $0x1  }
0x2: {  	[smem:$0x3F98] =	sst lr;
	_ =	strace $0xD0000000  }
0x3: {  	_ = 	snop  }
0x4: {  	_ = 	snop  }
0x5: {  	_ = 	snop  }
0x6: {  	_ = 	snop  }
0x7: {  	_ = 	snop  }
__scs_overlays_trampoline_lowered:
0x8: {  	[smem:$0x3FA7] =	sst s0  }
0x9: {  	[smem:$0x3FA8] =	sst s1  }
0xa: {  	[smem:$0x3FA9] =	sst s2  }
0xb: {  	[smem:$0x3FAA] =	sst s3  }
0xc: {  	[smem:$0x3FAB] =	sst s4  }
0xd: {  	[smem:$0x3FAC] =	sst s5  }
0xe: {  	[smem:$0x3FAD] =	sst s6  }
0xf: {  	[smem:$0x3FAE] =	sst s7  }
0x10: {  	[smem:$0x3FAF] =	sst s8  }
0x11: {  	[smem:$0x3FB0] =	sst s9;
	s0 =	simm.s32 @!p0 $0x0  }
0x12: {  	s1 =	sld [smem:$0x3F96];
	s0 =	simm.s32 @p0 $0x1  }
0x13: {  	[smem:$0x3FB1] =	sst s0;
	s0 =	simm.s32 @!p1 $0x0  }
0x14: {  	s2 =	sld [smem:$0x3F95];
	s0 =	simm.s32 @p1 $0x1  }
0x15: {  	[smem:$0x3FB2] =	sst s0;
	s0 =	simm.s32 @!p2 $0x0  }
0x16: {  	s3 =	sld [smem:$0x3FDB];
	s0 =	simm.s32 @p2 $0x1  }
0x17: {  	s4 =	simm.s32 $0x1BF5;
	[smem:$0x3FB4] =	sst s0  }
0x18: {  	s0 =	sld [smem:$0x3F97];
	_ =	swait.ge [sflag:s4], $0x0  }
0x19: {  	s7 =	sld [smem:$0x3F98]  }
0x1a: {  	s8 =	sadd.s32 $0xFFFFE003, lr  }
0x1b: {  	s9 =	sadd.s32 $0xFFFFFEF7, lr;
	s5 =	simm.s32 $0xFFFFFFFF;
	p2 =	slt.u32 s8, $0xFFFFF086  }
0x1c: {  	p1 =	slt.u32 s9, $0xF7A;
	s5 =	simm.s32 @!p2 $0x0  }
0x1d: {  	s5 =	simm.s32 @p1 $0x1;
	p0 =	seq.s32 s7, s2  }
0x1e: {  	s7 =	smul.u32 @!p0 $0xF7A, s2;
	p2 =	seq.s32 @!p0 s5, $0x0  }
0x1f: {  	s9 =	smul.u32 $0xF7A, s1;
	s8 =	simm.s32 @!p0 $0x1BF5;
	p2 =	por !p2, p0  }
0x20: {  	[sflag:s8] =	ssyncset.s32 @!p0 $0xFFFFF086;
	s6 =	sadd.s32 @!p0 s3, s7;
	s7 =	simm.s32 @!p0 $0x108  }
0x21: {  	s3 =	sadd.s32 s3, s9;
	s6 =	sadd.s32 @!p0 $0x88, s6;
	s7 =	simm.s32 @p2 $0x1082  }
0x22: {  	[simem:s7], [sflag:s8] =	dma.local @!p0 [hbm:s6], $0xF7A  }
0x23: {  	s9 =	sor.u32 $0xD0000000, s2;
	s6 =	simm.s32 $0x108;
	_ =	swait.ge @!p0 [sflag:s8], $0x0  }
0x24: {  	s3 =	sadd.s32 $0x88, s3;
	s6 =	simm.s32 @!p1 $0x1082;
	[sflag:s4] =	ssyncset.s32 $0xFFFFF086  }
0x25: {  	[simem:s6], [sflag:s4] =	dma.local [hbm:s3], $0xF7A  }
0x26: {  	[smem:$0x3F98] =	sst s1;
	(tag) =	ssettag s2;
	_ =	strace s9  }
0x27: {  	s1 =	sld [smem:$0x3FA8]  }
0x28: {  	s2 =	sld [smem:$0x3FA9]  }
0x29: {  	s4 =	sld [smem:$0x3FAB]  }
0x2a: {  	p0 =	seq.s32 s5, $0x0;
	s5 =	sld [smem:$0x3FAC]  }
0x2b: {  	s6 =	sld [smem:$0x3FAD]  }
0x2c: {  	s7 =	sld [smem:$0x3FAE]  }
0x2d: {  	s3 =	simm.s32 $0x108;
	s8 =	sld [smem:$0x3FAF]  }
0x2e: {  	s3 =	simm.s32 @!p0 $0x1082;
	s9 =	sld [smem:$0x3FB0]  }
0x2f: {  	lr =	sadd.s32 s0, s3;
	s0 =	sld [smem:$0x3FA7]  }
0x30: {  	s3 =	sld [smem:$0x3FAA]  }
0x31: {  	[smem:$0x3FB3] =	sst s10  }
0x32: {  	s10 =	sld [smem:$0x3FB1];
	_ =	sdelay $0x3  }
0x33: {  	p0 =	seq.s32 s10, $0x1;
	s10 =	sld [smem:$0x3FB3];
	_ =	sdelay $0x3  }
0x34: {  	[smem:$0x3FB3] =	sst s10  }
0x35: {  	s10 =	sld [smem:$0x3FB2];
	_ =	sdelay $0x3  }
0x36: {  	p1 =	seq.s32 s10, $0x1;
	s10 =	sld [smem:$0x3FB3];
	_ =	sdelay $0x3  }
0x37: {  	[smem:$0x3FB3] =	sst s10  }
0x38: {  	s10 =	sld [smem:$0x3FB4]  }
0x39: {  	_ = 	snop;
	(pc) =	sbr.ind lr, $3  }
0x3a: {  	_ = 	snop  }
0x3b: {  	_ = 	snop  }
0x3c: {  	p2 =	seq.s32 s10, $0x1;
	s10 =	sld [smem:$0x3FB3]  }
0x3d: {  	_ =	shalt  }
0x3e: {  	_ =	shalt  }
0x3f: {  	_ =	shalt  }
0x40: {  	_ =	shalt  }
0x41: {  	_ =	shalt  }
0x42: {  	_ =	shalt  }
0x43: {  	_ =	shalt  }
0x44: {  	_ =	shalt  }
0x45: {  	_ =	shalt  }
0x46: {  	_ =	shalt  }
0x47: {  	_ =	shalt  }
0x48: {  	_ =	shalt  }
0x49: {  	_ =	shalt  }
0x4a: {  	_ =	shalt  }
0x4b: {  	_ =	shalt  }
0x4c: {  	_ =	shalt  }
0x4d: {  	_ =	shalt  }
0x4e: {  	_ =	shalt  }
0x4f: {  	_ =	shalt  }
0x50: {  	_ =	shalt  }
0x51: {  	_ =	shalt  }
0x52: {  	_ =	shalt  }
0x53: {  	_ =	shalt  }
0x54: {  	_ =	shalt  }
0x55: {  	_ =	shalt  }
0x56: {  	_ =	shalt  }
0x57: {  	_ =	shalt  }
0x58: {  	_ =	shalt  }
0x59: {  	_ =	shalt  }
0x5a: {  	_ =	shalt  }
0x5b: {  	_ =	shalt  }
0x5c: {  	_ =	shalt  }
0x5d: {  	_ =	shalt  }
0x5e: {  	_ =	shalt  }
0x5f: {  	_ =	shalt  }
0x60: {  	_ =	shalt  }
0x61: {  	_ =	shalt  }
0x62: {  	_ =	shalt  }
0x63: {  	_ =	shalt  }
0x64: {  	_ =	shalt  }
0x65: {  	_ =	shalt  }
0x66: {  	_ =	shalt  }
0x67: {  	_ =	shalt  }
0x68: {  	_ =	shalt  }
0x69: {  	_ =	shalt  }
0x6a: {  	_ =	shalt  }
0x6b: {  	_ =	shalt  }
0x6c: {  	_ =	shalt  }
0x6d: {  	_ =	shalt  }
0x6e: {  	_ =	shalt  }
0x6f: {  	_ =	shalt  }
0x70: {  	_ =	shalt  }
0x71: {  	_ =	shalt  }
0x72: {  	_ =	shalt  }
0x73: {  	_ =	shalt  }
0x74: {  	_ =	shalt  }
0x75: {  	_ =	shalt  }
0x76: {  	_ =	shalt  }
0x77: {  	_ =	shalt  }
0x78: {  	_ =	shalt  }
0x79: {  	_ =	shalt  }
0x7a: {  	_ =	shalt  }
0x7b: {  	_ =	shalt  }
0x7c: {  	_ =	shalt  }
0x7d: {  	_ =	shalt  }
0x7e: {  	_ =	shalt  }
0x7f: {  	_ =	shalt  }
0x80: {  	_ =	shalt  }
0x81: {  	_ =	shalt  }
0x82: {  	_ =	shalt  }
0x83: {  	_ =	shalt  }
0x84: {  	_ =	shalt  }
0x85: {  	_ =	shalt  }
0x86: {  	_ =	shalt  }
0x87: {  	_ =	shalt  }
.Lfunc_end0:
.L_simem_size_0:
called_computation.1_lowered:
.L_overlay_start_0:
0x88: {  	s2 =	sld [smem:$0x3FD9]  }
0x89: {  	s3 =	sld [smem:$0x3FFE];
	_ =	sdelay $0x1  }
0x8a: {  	s1 =	srdreg.scid  }
0x8b: {  	s0 =	sand.u32 $0x1, s1  }
0x8c: {  	s16 =	sshll.u32 s0, $0xA;
	s2 =	sadd.s32 s3, s2  }
0x8d: {  	s2 =	sadd.s32 s2, s16  }
0x8e: {  	[smem:$0x3FBF] =	sst s2  }
0x8f: {  	_ = 	snop  }
0x90: {  	(tm) =	ssettm $0x1  }
0x91: {  	s17 =	sld [smem:$0x3FFB];
	_ =	sdelay $0x3  }
0x92: {  	_ =	strace s17  }
0x93: {  	s2 =	sld [smem:$0x3FFC];
	_ =	sdelay $0x3  }
0x94: {  	_ =	strace s2  }
0x95: {  	s2 =	sld [smem:$0x3FFD];
	_ =	sdelay $0x3  }
0x96: {  	_ =	strace s2  }
0x97: {  	_ =	strace $0x8FFFFFFF  }
0x98: {  	s18 =	sld [smem:$0x3FDB];
	_ =	sdelay $0x1  }
0x99: {  	s19 =	simm.s32 $_scs_section_size  }
0x9a: {  	s4 =	simm.s32 $_size__tile_overlayer_lowered;
	s5 =	simm.s32 $_tile_overlayer_lowered  }
0x9b: {  	s22 =	simm.s32 $0x1BFF;
	s21 =	sshll.u32 s5, $0x1;
	s2 =	sadd.s32 s19, s18  }
0x9c: {  	s6 =	simm.s32 $0x0;
	s20 =	sshll.u32 s4, $0x1;
	s4 =	sadd.s32 s21, s2  }
0x9d: {  	[timem:s6], [sflag:s22] =	dma.local [hbm:s4], s20  }
0x9e: {  	_ =	swait.ge [sflag:s22], s20  }
0x9f: {  	s3 =	ssub.s32 $0x0, s20;
	[sflag:s22] =	ssyncset.done $0x0  }
0xa0: {  	[sflag:s22] =	ssyncadd.s32 s3;
	_ =	sdelay $0x1  }
0xa1: {  	s23 =	simm.s32 $0x1B8B  }
0xa2: {  	_ =	swait.ge [sflag:s23], $0x1  }
0xa3: {  	[sflag:s23] =	ssyncset.done $0x0  }
0xa4: {  	s25 =	simm.s32 $0x1B8E;
	s24 =	sld [smem:$0x3FFE];
	[sflag:s23] =	ssyncadd.s32 $0xFFFFFFFF  }
0xa5: {  	s26 =	simm.s32 $execute0_lowered;
	[smem:$0x3FD2] =	sst s25  }
0xa6: {  	s4 =	sshll.u32 s26, $0x1;
	_ =	strace $0x80000049;
	[dreg:$0x1] =	wrdreg $0xFFFFFFFF  }
0xa7: {  	s28 =	simm.s32 $_size_execute0_lowered;
	s2 =	sadd.s32 s2, s4;
	[dreg:$0x0] =	wrdreg $0x0  }
0xa8: {  	s4 =	sshll.u32 s28, $0x1;
	[dreg:$0x2] =	wrdreg s2  }
0xa9: {  	[dreg:$0x3] =	wrdreg s4  }
0xaa: {  	[dreg:$0x4] =	wrdreg $0xC0  }
0xab: {  	_ =	task [dreg:s6], $0x5FFFF  }
0xac: {  	[dreg:$0x1] =	wrdreg $0xFFFFFFFF  }
0xad: {  	[dreg:$0x0] =	wrdreg $0x60  }
0xae: {  	[dreg:$0x2] =	wrdreg s24  }
0xaf: {  	[dreg:$0x3] =	wrdreg $0x9  }
0xb0: {  	_ =	task.clear_ibuf [dreg:s6], $0x4FFFF;
	_ =	strace $0x90000049  }
0xb1: {  	s29 =	simm.s32 $0x9;
	_ =	strace $0x8000004B  }
0xb2: {  	_ =	swait.ge [sflag:s29], $0x1  }
0xb3: {  	[sflag:s29] =	ssyncadd.s32 $0xFFFFFFFF  }
0xb4: {  	_ =	strace $0x9000004B  }
0xb5: {  	_ =	sfence  }
0xb6: {  	s30 =	sld [smem:$0x0];
	_ =	sdelay $0x2  }
0xb7: {  	s31 =	sshll.u32 s1, $0xD;
	s1 =	sshrl.u32 s1, $0x2  }
0xb8: {  	s3 =	sand.u32 $0x4000, s31;
	s1 =	sadd.s32 s1, s30  }
0xb9: {  	s0 =	sor.u32 s3, s0;
	s1 =	sshll.u32 s1, $0x11  }
0xba: {  	s0 =	sor.u32 s1, s0  }
0xbb: {  	s0 =	sadd.s32 $0x8F2B, s0  }
0xbc: {  	[sflag:s0] =	ssyncadd.remote.s32 $0x1  }
0xbd: {  	_ =	sfence.sel $0xFFFF  }
0xbe: {  	[dreg:$0x0] =	wrdreg $0xFFFFFFFF;
	(pc) =	sbr.abs _section_cstart, $3  }
0xbf: {  	[dreg:$0x1] =	wrdreg $0xFFFFFFFF  }
0xc0: {  	_ =	task.clear_ibuf [dreg:s6], $0x2FFFF;
	_ =	strace $0x9FFFFFFF  }
0xc1: {  	(tm) =	ssettm $0x7FFFFFFF  }
tec
execute0_lowered:
.L_overlay_start_1:
0x0: {  	(tag) =	ssettag $0x1  }
0x1: {  	s1 =	srdreg.scid  }
0x2: {  	s0 =	stileid.u32;
	s1 =	sand.u32 $0x1, s1  }
0x3: {  	s2 =	sshll.u32 s0, $0x5;
	s3 =	sshll.u32 s1, $0x4  }
0x4: {  	s5 =	rddreg [dreg:$0x0];
	s3 =	sor.u32 s3, s2;
	s2 =	simm.s32 $0x0  }
0x5: {  	s26 =	simm.s32 $0x880;
	[smem:$0x7FF] =	sst s2  }
0x6: {  	s0 =	simm.s32 $0x1080;
	_ =	strace $0x8000004A;
	[dreg:$0x4] =	wrdreg s26  }
0x7: {  	s6 =	simm.s32 $0x2080;
	[dreg:$0x5] =	wrdreg s0  }
0x8: {  	s7 =	simm.s32 $0x2880;
	[dreg:$0x7] =	wrdreg s6  }
0x9: {  	s8 =	simm.s32 $0x3080;
	[dreg:$0x8] =	wrdreg s7  }
0xa: {  	s9 =	simm.s32 $0x3880;
	[dreg:$0x9] =	wrdreg s8  }
0xb: {  	s10 =	simm.s32 $0x4080;
	[dreg:$0xa] =	wrdreg s9  }
0xc: {  	s11 =	simm.s32 $0x4880;
	[dreg:$0xb] =	wrdreg s10  }
0xd: {  	s12 =	simm.s32 $0x5080;
	[dreg:$0xc] =	wrdreg s11  }
0xe: {  	s13 =	simm.s32 $0x5880;
	[dreg:$0xd] =	wrdreg s12  }
0xf: {  	s14 =	simm.s32 $0x6080;
	[dreg:$0xe] =	wrdreg s13  }
0x10: {  	s15 =	simm.s32 $0x6880;
	[dreg:$0xf] =	wrdreg s14  }
0x11: {  	s16 =	simm.s32 $0x7080;
	[dreg:$0x10] =	wrdreg s15  }
0x12: {  	s17 =	simm.s32 $0x7880;
	s18 =	simm.s32 $0x8080;
	[dreg:$0x11] =	wrdreg s16  }
0x13: {  	s19 =	simm.s32 $0x8880;
	s20 =	simm.s32 $0x9080;
	[dreg:$0x12] =	wrdreg s17  }
0x14: {  	s21 =	simm.s32 $0x9880;
	s22 =	simm.s32 $0xA080;
	[dreg:$0x13] =	wrdreg s18  }
0x15: {  	s23 =	simm.s32 $0xA880;
	s24 =	simm.s32 $0xB880;
	[dreg:$0x14] =	wrdreg s19  }
0x16: {  	s28 =	simm.s32 $0x16080;
	s29 =	simm.s32 $0x16880;
	[dreg:$0x15] =	wrdreg s20  }
0x17: {  	s30 =	simm.s32 $0x17080;
	s31 =	simm.s32 $0x17880;
	[dreg:$0x16] =	wrdreg s21  }
0x18: {  	s4 =	smul.u32 $0x300, s3;
	s3 =	sadd.s32 s3, s5;
	[dreg:$0x17] =	wrdreg s22  }
0x19: {  	s1 =	ssub.s32 $0x2, s1;
	s3 =	sadd.s32 $0x2000, s3;
	[dreg:$0x18] =	wrdreg s23  }
0x1a: {  	s6 =	sshrl.u32 s1, $0x1;
	s7 =	simm.s32 $0xB080;
	[dreg:$0x1a] =	wrdreg s24  }
0x1b: {  	s8 =	simm.s32 $0x80;
	s26 =	simm.s32 $0xC880;
	s10 =	simm.s32 $0xD880  }
0x1c: {  	s11 =	simm.s32 $0xE080;
	s12 =	simm.s32 $0xE880;
	s13 =	simm.s32 $0xF080  }
0x1d: {  	s14 =	simm.s32 $0xF880;
	s15 =	simm.s32 $0x10080;
	s16 =	simm.s32 $0x10880  }
0x1e: {  	s17 =	simm.s32 $0x11080;
	s18 =	simm.s32 $0x11880;
	s19 =	simm.s32 $0x12080  }
0x1f: {  	s20 =	simm.s32 $0x12880;
	s21 =	simm.s32 $0x13080;
	s22 =	simm.s32 $0x13880  }
0x20: {  	s23 =	simm.s32 $0x14080;
	s24 =	simm.s32 $0x14880;
	[dreg:$0x2] =	wrdreg s3  }
0x21: {  	s4 =	sadd.s32 s4, s5;
	s3 =	sadd.s32 $0x122400, s5;
	[dreg:$0x19] =	wrdreg s7  }
0x22: {  	s1 =	ssub.s32 s1, s6;
	s7 =	simm.s32 $0x2;
	[dreg:$0x1c] =	wrdreg s26  }
0x23: {  	s26 =	simm.s32 $0x15880;
	s25 =	sadd.s32 $0x2400, s4;
	s4 =	simm.s32 $0x1880  }
0x24: {  	v2 =	vlaneseq.u32;
	s6 =	smax.u32 s1, $0x1;
	s1 =	simm.s32 $0x1;
	[dreg:$0x3] =	wrdreg s25  }
0x25: {  	vm0 =	vmmov $0xffff;
	v1 =	vshrl.u32 v2, $0x3;
	[dreg:$0x6] =	wrdreg s4;
	s4 =	sadd.s32 $0x122500, s5;
	s25 =	simm.s32 $0xC080  }
0x26: {  	v0 =	vand.u32 $0x7, v2;
	v2 =	vor.u32 $0x8, v2;
	v1 =	vmul.u32 $0x8, v1;
	s5 =	sadd.s32 $0x122600, s5;
	[dreg:$0x1b] =	wrdreg s25;
	s25 =	simm.s32 $0x15080  }
.LBB2_1:
0x27: {  	s0 =	rddreg [dreg:$0x2]  }
0x28: {  	[tilespmem:s2], [sflag:$0x2] =	stream.linear.gather [hbm4b:s0+s2], $0x80, $0x38;
	[tilespmem:$0x18080] =	vst v63  }
0x29: {  	_ =	swait.ge [sflag:s7], $0x80  }
0x2a: {  	[sflag:s7] =	ssyncset.done $0x0  }
0x2b: {  	[sflag:s7] =	ssyncadd.s32 $0xFFFFFF80  }
0x2c: {  	v3 =	vld [tilespmem:$0x0];
	_ =	sdelay $0x4  }
0x2d: {  	v4 =	vshrl.u32 v3, $0x3  }
0x2e: {  	v4 =	vmul.u32 $0x30, v4  }
0x2f: {  	v3 =	vand.u32 $0x7, v3  }
0x30: {  	v3 =	vor.u32 v3, v4  }
0x31: {  	v4 =	vperm.xlane v3, v0;
	_ =	sdelay $0x1  }
0x32: {  	v4 =	vadd.s32 v1, v4;
	_ =	sdelay $0x3  }
0x33: {  	v3 =	vperm.xlane v3, v2  }
0x34: {  	[tilespmem:s8], [sflag:$0x1] =	stream.indirect_vreg.gather [hbm4b:s3+s2], $0x80, v4, vm0, $0xb8;
	[tilespmem:$0x18080] =	vst v63  }
0x35: {  	s0 =	rddreg [dreg:$0x4];
	v3 =	vadd.s32 v1, v3  }
0x36: {  	[tilespmem:s0], [sflag:$0x1] =	stream.indirect_vreg.gather [hbm4b:s4+s2], $0x80, v4, vm0, $0xb8;
	[tilespmem:$0x18080] =	vst v63  }
0x37: {  	s9 =	rddreg [dreg:$0x5]  }
0x38: {  	[tilespmem:s9], [sflag:$0x1] =	stream.indirect_vreg.gather [hbm4b:s5+s2], $0x80, v4, vm0, $0xb8;
	[tilespmem:$0x18080] =	vst v63  }
0x39: {  	s0 =	rddreg [dreg:$0x6]  }
0x3a: {  	[tilespmem:s0], [sflag:$0x1] =	stream.indirect_vreg.gather [hbm4b:s3+s2], $0x80, v3, vm0, $0xb8;
	[tilespmem:$0x18080] =	vst v63  }
0x3b: {  	s9 =	rddreg [dreg:$0x7]  }
0x3c: {  	[tilespmem:s9], [sflag:$0x1] =	stream.indirect_vreg.gather [hbm4b:s4+s2], $0x80, v3, vm0, $0xb8;
	[tilespmem:$0x18080] =	vst v63  }
0x3d: {  	s0 =	rddreg [dreg:$0x8]  }
0x3e: {  	[tilespmem:s0], [sflag:$0x1] =	stream.indirect_vreg.gather [hbm4b:s5+s2], $0x80, v3, vm0, $0xb8;
	[tilespmem:$0x18080] =	vst v63  }
0x3f: {  	v3 =	vld [tilespmem:$0x10];
	_ =	sdelay $0x4  }
0x40: {  	v57 =	vshrl.u32 v3, $0x3  }
0x41: {  	v4 =	vmul.u32 $0x30, v57  }
0x42: {  	v3 =	vand.u32 $0x7, v3  }
0x43: {  	v3 =	vor.u32 v3, v4  }
0x44: {  	v4 =	vperm.xlane v3, v0;
	_ =	sdelay $0x1  }
0x45: {  	v4 =	vadd.s32 v1, v4;
	_ =	sdelay $0x3  }
0x46: {  	s0 =	rddreg [dreg:$0x9];
	v3 =	vperm.xlane v3, v2  }
0x47: {  	[tilespmem:s0], [sflag:$0x1] =	stream.indirect_vreg.gather [hbm4b:s3+s2], $0x80, v4, vm0, $0xb8;
	[tilespmem:$0x18080] =	vst v63  }
0x48: {  	s9 =	rddreg [dreg:$0xa];
	v3 =	vadd.s32 v1, v3  }
0x49: {  	[tilespmem:s9], [sflag:$0x1] =	stream.indirect_vreg.gather [hbm4b:s4+s2], $0x80, v4, vm0, $0xb8;
	[tilespmem:$0x18080] =	vst v63  }
0x4a: {  	s0 =	rddreg [dreg:$0xb]  }
0x4b: {  	[tilespmem:s0], [sflag:$0x1] =	stream.indirect_vreg.gather [hbm4b:s5+s2], $0x80, v4, vm0, $0xb8;
	[tilespmem:$0x18080] =	vst v63  }
0x4c: {  	s9 =	rddreg [dreg:$0xc]  }
0x4d: {  	[tilespmem:s9], [sflag:$0x1] =	stream.indirect_vreg.gather [hbm4b:s3+s2], $0x80, v3, vm0, $0xb8;
	[tilespmem:$0x18080] =	vst v63  }
0x4e: {  	s0 =	rddreg [dreg:$0xd]  }
0x4f: {  	[tilespmem:s0], [sflag:$0x1] =	stream.indirect_vreg.gather [hbm4b:s4+s2], $0x80, v3, vm0, $0xb8;
	[tilespmem:$0x18080] =	vst v63  }
0x50: {  	s9 =	rddreg [dreg:$0xe]  }
0x51: {  	[tilespmem:s9], [sflag:$0x1] =	stream.indirect_vreg.gather [hbm4b:s5+s2], $0x80, v3, vm0, $0xb8;
	[tilespmem:$0x18080] =	vst v63  }
0x52: {  	v3 =	vld [tilespmem:$0x20];
	_ =	sdelay $0x4  }
0x53: {  	v58 =	vshrl.u32 v3, $0x3  }
0x54: {  	v4 =	vmul.u32 $0x30, v58  }
0x55: {  	v3 =	vand.u32 $0x7, v3  }
0x56: {  	v3 =	vor.u32 v3, v4  }
0x57: {  	v4 =	vperm.xlane v3, v0;
	_ =	sdelay $0x1  }
0x58: {  	v4 =	vadd.s32 v1, v4;
	_ =	sdelay $0x3  }
0x59: {  	s0 =	rddreg [dreg:$0xf];
	v3 =	vperm.xlane v3, v2  }
0x5a: {  	[tilespmem:s0], [sflag:$0x1] =	stream.indirect_vreg.gather [hbm4b:s3+s2], $0x80, v4, vm0, $0xb8;
	[tilespmem:$0x18080] =	vst v63  }
0x5b: {  	s9 =	rddreg [dreg:$0x10];
	v3 =	vadd.s32 v1, v3  }
0x5c: {  	[tilespmem:s9], [sflag:$0x1] =	stream.indirect_vreg.gather [hbm4b:s4+s2], $0x80, v4, vm0, $0xb8;
	[tilespmem:$0x18080] =	vst v63  }
0x5d: {  	s0 =	rddreg [dreg:$0x11]  }
0x5e: {  	[tilespmem:s0], [sflag:$0x1] =	stream.indirect_vreg.gather [hbm4b:s5+s2], $0x80, v4, vm0, $0xb8;
	[tilespmem:$0x18080] =	vst v63  }
0x5f: {  	s9 =	rddreg [dreg:$0x12]  }
0x60: {  	[tilespmem:s9], [sflag:$0x1] =	stream.indirect_vreg.gather [hbm4b:s3+s2], $0x80, v3, vm0, $0xb8;
	[tilespmem:$0x18080] =	vst v63  }
0x61: {  	s0 =	rddreg [dreg:$0x13]  }
0x62: {  	[tilespmem:s0], [sflag:$0x1] =	stream.indirect_vreg.gather [hbm4b:s4+s2], $0x80, v3, vm0, $0xb8;
	[tilespmem:$0x18080] =	vst v63  }
0x63: {  	s9 =	rddreg [dreg:$0x14]  }
0x64: {  	[tilespmem:s9], [sflag:$0x1] =	stream.indirect_vreg.gather [hbm4b:s5+s2], $0x80, v3, vm0, $0xb8;
	[tilespmem:$0x18080] =	vst v63  }
0x65: {  	v3 =	vld [tilespmem:$0x30];
	_ =	sdelay $0x4  }
0x66: {  	v59 =	vshrl.u32 v3, $0x3  }
0x67: {  	v4 =	vmul.u32 $0x30, v59  }
0x68: {  	v3 =	vand.u32 $0x7, v3  }
0x69: {  	v3 =	vor.u32 v3, v4  }
0x6a: {  	v4 =	vperm.xlane v3, v0;
	_ =	sdelay $0x1  }
0x6b: {  	v4 =	vadd.s32 v1, v4;
	_ =	sdelay $0x3  }
0x6c: {  	s0 =	rddreg [dreg:$0x15];
	v3 =	vperm.xlane v3, v2  }
0x6d: {  	[tilespmem:s0], [sflag:$0x1] =	stream.indirect_vreg.gather [hbm4b:s3+s2], $0x80, v4, vm0, $0xb8;
	[tilespmem:$0x18080] =	vst v63  }
0x6e: {  	s9 =	rddreg [dreg:$0x16];
	v3 =	vadd.s32 v1, v3  }
0x6f: {  	[tilespmem:s9], [sflag:$0x1] =	stream.indirect_vreg.gather [hbm4b:s4+s2], $0x80, v4, vm0, $0xb8;
	[tilespmem:$0x18080] =	vst v63  }
0x70: {  	s0 =	rddreg [dreg:$0x17]  }
0x71: {  	[tilespmem:s0], [sflag:$0x1] =	stream.indirect_vreg.gather [hbm4b:s5+s2], $0x80, v4, vm0, $0xb8;
	[tilespmem:$0x18080] =	vst v63  }
0x72: {  	s9 =	rddreg [dreg:$0x18]  }
0x73: {  	[tilespmem:s9], [sflag:$0x1] =	stream.indirect_vreg.gather [hbm4b:s3+s2], $0x80, v3, vm0, $0xb8;
	[tilespmem:$0x18080] =	vst v63  }
0x74: {  	s0 =	rddreg [dreg:$0x19]  }
0x75: {  	[tilespmem:s0], [sflag:$0x1] =	stream.indirect_vreg.gather [hbm4b:s4+s2], $0x80, v3, vm0, $0xb8;
	[tilespmem:$0x18080] =	vst v63  }
0x76: {  	s9 =	rddreg [dreg:$0x1a]  }
0x77: {  	[tilespmem:s9], [sflag:$0x1] =	stream.indirect_vreg.gather [hbm4b:s5+s2], $0x80, v3, vm0, $0xb8;
	[tilespmem:$0x18080] =	vst v63  }
0x78: {  	v3 =	vld [tilespmem:$0x40];
	_ =	sdelay $0x4  }
0x79: {  	v60 =	vshrl.u32 v3, $0x3  }
0x7a: {  	v4 =	vmul.u32 $0x30, v60  }
0x7b: {  	v3 =	vand.u32 $0x7, v3  }
0x7c: {  	v3 =	vor.u32 v3, v4  }
0x7d: {  	v4 =	vperm.xlane v3, v0;
	_ =	sdelay $0x1  }
0x7e: {  	v4 =	vadd.s32 v1, v4;
	_ =	sdelay $0x3  }
0x7f: {  	s0 =	rddreg [dreg:$0x1b];
	v3 =	vperm.xlane v3, v2  }
0x80: {  	[tilespmem:s0], [sflag:$0x1] =	stream.indirect_vreg.gather [hbm4b:s3+s2], $0x80, v4, vm0, $0xb8;
	[tilespmem:$0x18080] =	vst v63  }
0x81: {  	s9 =	rddreg [dreg:$0x1c];
	v3 =	vadd.s32 v1, v3  }
0x82: {  	[tilespmem:s9], [sflag:$0x1] =	stream.indirect_vreg.gather [hbm4b:s4+s2], $0x80, v4, vm0, $0xb8;
	[tilespmem:$0x18080] =	vst v63  }
0x83: {  	s9 =	simm.s32 $0xD080  }
0x84: {  	[tilespmem:s9], [sflag:$0x1] =	stream.indirect_vreg.gather [hbm4b:s5+s2], $0x80, v4, vm0, $0xb8;
	[tilespmem:$0x18080] =	vst v63  }
0x85: {  	_ = 	snop  }
0x86: {  	[tilespmem:s10], [sflag:$0x1] =	stream.indirect_vreg.gather [hbm4b:s3+s2], $0x80, v3, vm0, $0xb8;
	[tilespmem:$0x18080] =	vst v63  }
0x87: {  	_ = 	snop  }
0x88: {  	[tilespmem:s11], [sflag:$0x1] =	stream.indirect_vreg.gather [hbm4b:s4+s2], $0x80, v3, vm0, $0xb8;
	[tilespmem:$0x18080] =	vst v63  }
0x89: {  	_ = 	snop  }
0x8a: {  	[tilespmem:s12], [sflag:$0x1] =	stream.indirect_vreg.gather [hbm4b:s5+s2], $0x80, v3, vm0, $0xb8;
	[tilespmem:$0x18080] =	vst v63  }
0x8b: {  	v3 =	vld [tilespmem:$0x50];
	_ =	sdelay $0x4  }
0x8c: {  	v61 =	vshrl.u32 v3, $0x3  }
0x8d: {  	v4 =	vmul.u32 $0x30, v61  }
0x8e: {  	v3 =	vand.u32 $0x7, v3  }
0x8f: {  	v3 =	vor.u32 v3, v4  }
0x90: {  	v4 =	vperm.xlane v3, v0;
	_ =	sdelay $0x1  }
0x91: {  	v4 =	vadd.s32 v1, v4;
	_ =	sdelay $0x3  }
0x92: {  	v3 =	vperm.xlane v3, v2  }
0x93: {  	[tilespmem:s13], [sflag:$0x1] =	stream.indirect_vreg.gather [hbm4b:s3+s2], $0x80, v4, vm0, $0xb8;
	[tilespmem:$0x18080] =	vst v63  }
0x94: {  	v3 =	vadd.s32 v1, v3  }
0x95: {  	[tilespmem:s14], [sflag:$0x1] =	stream.indirect_vreg.gather [hbm4b:s4+s2], $0x80, v4, vm0, $0xb8;
	[tilespmem:$0x18080] =	vst v63  }
0x96: {  	_ = 	snop  }
0x97: {  	[tilespmem:s15], [sflag:$0x1] =	stream.indirect_vreg.gather [hbm4b:s5+s2], $0x80, v4, vm0, $0xb8;
	[tilespmem:$0x18080] =	vst v63  }
0x98: {  	_ = 	snop  }
0x99: {  	[tilespmem:s16], [sflag:$0x1] =	stream.indirect_vreg.gather [hbm4b:s3+s2], $0x80, v3, vm0, $0xb8;
	[tilespmem:$0x18080] =	vst v63  }
0x9a: {  	_ = 	snop  }
0x9b: {  	[tilespmem:s17], [sflag:$0x1] =	stream.indirect_vreg.gather [hbm4b:s4+s2], $0x80, v3, vm0, $0xb8;
	[tilespmem:$0x18080] =	vst v63  }
0x9c: {  	_ = 	snop  }
0x9d: {  	[tilespmem:s18], [sflag:$0x1] =	stream.indirect_vreg.gather [hbm4b:s5+s2], $0x80, v3, vm0, $0xb8;
	[tilespmem:$0x18080] =	vst v63  }
0x9e: {  	v3 =	vld [tilespmem:$0x60];
	_ =	sdelay $0x4  }
0x9f: {  	v62 =	vshrl.u32 v3, $0x3  }
0xa0: {  	v4 =	vmul.u32 $0x30, v62  }
0xa1: {  	v3 =	vand.u32 $0x7, v3  }
0xa2: {  	v3 =	vor.u32 v3, v4  }
0xa3: {  	v4 =	vperm.xlane v3, v0;
	_ =	sdelay $0x1  }
0xa4: {  	v4 =	vadd.s32 v1, v4;
	_ =	sdelay $0x3  }
0xa5: {  	v3 =	vperm.xlane v3, v2  }
0xa6: {  	[tilespmem:s19], [sflag:$0x1] =	stream.indirect_vreg.gather [hbm4b:s3+s2], $0x80, v4, vm0, $0xb8;
	[tilespmem:$0x18080] =	vst v63  }
0xa7: {  	v3 =	vadd.s32 v1, v3  }
0xa8: {  	[tilespmem:s20], [sflag:$0x1] =	stream.indirect_vreg.gather [hbm4b:s4+s2], $0x80, v4, vm0, $0xb8;
	[tilespmem:$0x18080] =	vst v63  }
0xa9: {  	_ = 	snop  }
0xaa: {  	[tilespmem:s21], [sflag:$0x1] =	stream.indirect_vreg.gather [hbm4b:s5+s2], $0x80, v4, vm0, $0xb8;
	[tilespmem:$0x18080] =	vst v63  }
0xab: {  	_ = 	snop  }
0xac: {  	[tilespmem:s22], [sflag:$0x1] =	stream.indirect_vreg.gather [hbm4b:s3+s2], $0x80, v3, vm0, $0xb8;
	[tilespmem:$0x18080] =	vst v63  }
0xad: {  	_ = 	snop  }
0xae: {  	[tilespmem:s23], [sflag:$0x1] =	stream.indirect_vreg.gather [hbm4b:s4+s2], $0x80, v3, vm0, $0xb8;
	[tilespmem:$0x18080] =	vst v63  }
0xaf: {  	_ = 	snop  }
0xb0: {  	[tilespmem:s24], [sflag:$0x1] =	stream.indirect_vreg.gather [hbm4b:s5+s2], $0x80, v3, vm0, $0xb8;
	[tilespmem:$0x18080] =	vst v63  }
0xb1: {  	v3 =	vld [tilespmem:$0x70];
	_ =	sdelay $0x4  }
0xb2: {  	v63 =	vshrl.u32 v3, $0x3  }
0xb3: {  	v4 =	vmul.u32 $0x30, v63  }
0xb4: {  	v3 =	vand.u32 $0x7, v3  }
0xb5: {  	v3 =	vor.u32 v3, v4  }
0xb6: {  	v4 =	vperm.xlane v3, v0;
	_ =	sdelay $0x1  }
0xb7: {  	v4 =	vadd.s32 v1, v4;
	_ =	sdelay $0x3  }
0xb8: {  	v3 =	vperm.xlane v3, v2  }
0xb9: {  	[tilespmem:s25], [sflag:$0x1] =	stream.indirect_vreg.gather [hbm4b:s3+s2], $0x80, v4, vm0, $0xb8;
	[tilespmem:$0x18080] =	vst v63  }
0xba: {  	v3 =	vadd.s32 v1, v3  }
0xbb: {  	[tilespmem:s26], [sflag:$0x1] =	stream.indirect_vreg.gather [hbm4b:s4+s2], $0x80, v4, vm0, $0xb8;
	[tilespmem:$0x18080] =	vst v63  }
0xbc: {  	_ = 	snop  }
0xbd: {  	[tilespmem:s28], [sflag:$0x1] =	stream.indirect_vreg.gather [hbm4b:s5+s2], $0x80, v4, vm0, $0xb8;
	[tilespmem:$0x18080] =	vst v63  }
0xbe: {  	_ = 	snop  }
0xbf: {  	[tilespmem:s29], [sflag:$0x1] =	stream.indirect_vreg.gather [hbm4b:s3+s2], $0x80, v3, vm0, $0xb8;
	[tilespmem:$0x18080] =	vst v63  }
0xc0: {  	_ = 	snop  }
0xc1: {  	[tilespmem:s30], [sflag:$0x1] =	stream.indirect_vreg.gather [hbm4b:s4+s2], $0x80, v3, vm0, $0xb8;
	[tilespmem:$0x18080] =	vst v63  }
0xc2: {  	_ = 	snop  }
0xc3: {  	[tilespmem:s31], [sflag:$0x1] =	stream.indirect_vreg.gather [hbm4b:s5+s2], $0x80, v3, vm0, $0xb8;
	[tilespmem:$0x18080] =	vst v63  }
0xc4: {  	_ =	swait.ge [sflag:s1], $0x18000  }
0xc5: {  	p0 =	sne.s32 s6, $0x1;
	[sflag:s1] =	ssyncset.done $0x0  }
.Ltmp0:
0xc6: {  	s9 =	rddreg [dreg:$0x3];
	[sflag:s1] =	ssyncadd.s32 $0xFFFE8000;
	(pc) =	sbr.rel @p0 .LBB2_1-.Ltmp0, $4  }
0xc7: {  	[hbm4b:s9+s2] =	stream.linear.scatter [tilespmem:s8], [sflag:$0x2], $0x18000, $0x38;
	[tilespmem:$0x18080] =	vst v63  }
0xc8: {  	_ =	swait.ge [sflag:s7], $0x18000  }
0xc9: {  	[sflag:s7] =	ssyncset.done $0x0  }
0xca: {  	s6 =	sadd.s32 $0xFFFFFFFF, s6;
	[sflag:s7] =	ssyncadd.s32 $0xFFFE8000  }
0xcb: {  	_ =	sfence.sel $0x180000  }
0xcc: {  	[bflag:$0x0] =	sbarrier.arrive $0xFFFF  }
0xcd: {  	_ =	strace $0x9000004A  }
0xce: {  	s0 =	stileid.u32;
	[bflag:$0x2] =	sbarrier.arrive $0xFFFF  }
0xcf: {  	p0 =	sne.s32 s0, $0x0;
	s0 =	rddreg [dreg:$0x1]  }
0xd0: {  	s0 =	sadd.s32 @!p0 $0x100000, s0  }
0xd1: {  	[sflag:s0] =	ssyncadd.tile.s32 @!p0 $0x1;
	_ =	shalt  }
.Lfunc_end2:
_tile_overlayer_lowered:
.L_overlay_start_2:
0xd2: {  	(tag) =	ssettag $0x2  }
0xd3: {  	s0 =	rddreg [dreg:$0x0];
	s2 =	stileid.u32  }
0xd4: {  	s1 =	rddreg [dreg:$0x1];
	p0 =	sne.s32 s2, $0x0  }
0xd5: {  	s3 =	rddreg [dreg:$0x2];
	[bflag:$0x3] =	sbarrier.arrive $0xFFFF;
	s2 =	simm.s32 @!p0 $0x1C02  }
0xd6: {  	[timem:s3], [sflag:s2] =	dma.local @!p0 [hbm:s0], s1  }
0xd7: {  	s0 =	simm.s32 @!p0 $0x2  }
0xd8: {  	_ =	swait.ge @!p0 [sflag:s0], s1  }
0xd9: {  	s1 =	ssub.s32 @!p0 $0x0, s1;
	[sflag:s0] =	ssyncset.done @!p0 $0x0  }
0xda: {  	[sflag:s0] =	ssyncadd.s32 @!p0 s1  }
0xdb: {  	[bflag:$0x3] =	sbarrier.arrive $0xFFFF  }
0xdc: {  	_ =	shalt  }

// kernel: kernel.7.cloned.1.call-start
scs
__scs_entry_jumppad:
0x0: {  	(pc) =	sbr.rel $0x88, $3  }
0x1: {  	(tag) =	ssettag $0x0;
	lr =	simm.s32 $0x1  }
0x2: {  	[smem:$0x3F98] =	sst lr;
	_ =	strace $0xD0000000  }
0x3: {  	_ = 	snop  }
0x4: {  	_ = 	snop  }
0x5: {  	_ = 	snop  }
0x6: {  	_ = 	snop  }
0x7: {  	_ = 	snop  }
__scs_overlays_trampoline_lowered:
0x8: {  	[smem:$0x3FA7] =	sst s0  }
0x9: {  	[smem:$0x3FA8] =	sst s1  }
0xa: {  	[smem:$0x3FA9] =	sst s2  }
0xb: {  	[smem:$0x3FAA] =	sst s3  }
0xc: {  	[smem:$0x3FAB] =	sst s4  }
0xd: {  	[smem:$0x3FAC] =	sst s5  }
0xe: {  	[smem:$0x3FAD] =	sst s6  }
0xf: {  	[smem:$0x3FAE] =	sst s7  }
0x10: {  	[smem:$0x3FAF] =	sst s8  }
0x11: {  	[smem:$0x3FB0] =	sst s9;
	s0 =	simm.s32 @!p0 $0x0  }
0x12: {  	s1 =	sld [smem:$0x3F96];
	s0 =	simm.s32 @p0 $0x1  }
0x13: {  	[smem:$0x3FB1] =	sst s0;
	s0 =	simm.s32 @!p1 $0x0  }
0x14: {  	s2 =	sld [smem:$0x3F95];
	s0 =	simm.s32 @p1 $0x1  }
0x15: {  	[smem:$0x3FB2] =	sst s0;
	s0 =	simm.s32 @!p2 $0x0  }
0x16: {  	s3 =	sld [smem:$0x3FDB];
	s0 =	simm.s32 @p2 $0x1  }
0x17: {  	s4 =	simm.s32 $0x1BF5;
	[smem:$0x3FB4] =	sst s0  }
0x18: {  	s0 =	sld [smem:$0x3F97];
	_ =	swait.ge [sflag:s4], $0x0  }
0x19: {  	s7 =	sld [smem:$0x3F98]  }
0x1a: {  	s8 =	sadd.s32 $0xFFFFE003, lr  }
0x1b: {  	s9 =	sadd.s32 $0xFFFFFEF7, lr;
	s5 =	simm.s32 $0xFFFFFFFF;
	p2 =	slt.u32 s8, $0xFFFFF086  }
0x1c: {  	p1 =	slt.u32 s9, $0xF7A;
	s5 =	simm.s32 @!p2 $0x0  }
0x1d: {  	s5 =	simm.s32 @p1 $0x1;
	p0 =	seq.s32 s7, s2  }
0x1e: {  	s7 =	smul.u32 @!p0 $0xF7A, s2;
	p2 =	seq.s32 @!p0 s5, $0x0  }
0x1f: {  	s9 =	smul.u32 $0xF7A, s1;
	s8 =	simm.s32 @!p0 $0x1BF5;
	p2 =	por !p2, p0  }
0x20: {  	[sflag:s8] =	ssyncset.s32 @!p0 $0xFFFFF086;
	s6 =	sadd.s32 @!p0 s3, s7;
	s7 =	simm.s32 @!p0 $0x108  }
0x21: {  	s3 =	sadd.s32 s3, s9;
	s6 =	sadd.s32 @!p0 $0x88, s6;
	s7 =	simm.s32 @p2 $0x1082  }
0x22: {  	[simem:s7], [sflag:s8] =	dma.local @!p0 [hbm:s6], $0xF7A  }
0x23: {  	s9 =	sor.u32 $0xD0000000, s2;
	s6 =	simm.s32 $0x108;
	_ =	swait.ge @!p0 [sflag:s8], $0x0  }
0x24: {  	s3 =	sadd.s32 $0x88, s3;
	s6 =	simm.s32 @!p1 $0x1082;
	[sflag:s4] =	ssyncset.s32 $0xFFFFF086  }
0x25: {  	[simem:s6], [sflag:s4] =	dma.local [hbm:s3], $0xF7A  }
0x26: {  	[smem:$0x3F98] =	sst s1;
	(tag) =	ssettag s2;
	_ =	strace s9  }
0x27: {  	s1 =	sld [smem:$0x3FA8]  }
0x28: {  	s2 =	sld [smem:$0x3FA9]  }
0x29: {  	s4 =	sld [smem:$0x3FAB]  }
0x2a: {  	p0 =	seq.s32 s5, $0x0;
	s5 =	sld [smem:$0x3FAC]  }
0x2b: {  	s6 =	sld [smem:$0x3FAD]  }
0x2c: {  	s7 =	sld [smem:$0x3FAE]  }
0x2d: {  	s3 =	simm.s32 $0x108;
	s8 =	sld [smem:$0x3FAF]  }
0x2e: {  	s3 =	simm.s32 @!p0 $0x1082;
	s9 =	sld [smem:$0x3FB0]  }
0x2f: {  	lr =	sadd.s32 s0, s3;
	s0 =	sld [smem:$0x3FA7]  }
0x30: {  	s3 =	sld [smem:$0x3FAA]  }
0x31: {  	[smem:$0x3FB3] =	sst s10  }
0x32: {  	s10 =	sld [smem:$0x3FB1];
	_ =	sdelay $0x3  }
0x33: {  	p0 =	seq.s32 s10, $0x1;
	s10 =	sld [smem:$0x3FB3];
	_ =	sdelay $0x3  }
0x34: {  	[smem:$0x3FB3] =	sst s10  }
0x35: {  	s10 =	sld [smem:$0x3FB2];
	_ =	sdelay $0x3  }
0x36: {  	p1 =	seq.s32 s10, $0x1;
	s10 =	sld [smem:$0x3FB3];
	_ =	sdelay $0x3  }
0x37: {  	[smem:$0x3FB3] =	sst s10  }
0x38: {  	s10 =	sld [smem:$0x3FB4]  }
0x39: {  	_ = 	snop;
	(pc) =	sbr.ind lr, $3  }
0x3a: {  	_ = 	snop  }
0x3b: {  	_ = 	snop  }
0x3c: {  	p2 =	seq.s32 s10, $0x1;
	s10 =	sld [smem:$0x3FB3]  }
0x3d: {  	_ =	shalt  }
0x3e: {  	_ =	shalt  }
0x3f: {  	_ =	shalt  }
0x40: {  	_ =	shalt  }
0x41: {  	_ =	shalt  }
0x42: {  	_ =	shalt  }
0x43: {  	_ =	shalt  }
0x44: {  	_ =	shalt  }
0x45: {  	_ =	shalt  }
0x46: {  	_ =	shalt  }
0x47: {  	_ =	shalt  }
0x48: {  	_ =	shalt  }
0x49: {  	_ =	shalt  }
0x4a: {  	_ =	shalt  }
0x4b: {  	_ =	shalt  }
0x4c: {  	_ =	shalt  }
0x4d: {  	_ =	shalt  }
0x4e: {  	_ =	shalt  }
0x4f: {  	_ =	shalt  }
0x50: {  	_ =	shalt  }
0x51: {  	_ =	shalt  }
0x52: {  	_ =	shalt  }
0x53: {  	_ =	shalt  }
0x54: {  	_ =	shalt  }
0x55: {  	_ =	shalt  }
0x56: {  	_ =	shalt  }
0x57: {  	_ =	shalt  }
0x58: {  	_ =	shalt  }
0x59: {  	_ =	shalt  }
0x5a: {  	_ =	shalt  }
0x5b: {  	_ =	shalt  }
0x5c: {  	_ =	shalt  }
0x5d: {  	_ =	shalt  }
0x5e: {  	_ =	shalt  }
0x5f: {  	_ =	shalt  }
0x60: {  	_ =	shalt  }
0x61: {  	_ =	shalt  }
0x62: {  	_ =	shalt  }
0x63: {  	_ =	shalt  }
0x64: {  	_ =	shalt  }
0x65: {  	_ =	shalt  }
0x66: {  	_ =	shalt  }
0x67: {  	_ =	shalt  }
0x68: {  	_ =	shalt  }
0x69: {  	_ =	shalt  }
0x6a: {  	_ =	shalt  }
0x6b: {  	_ =	shalt  }
0x6c: {  	_ =	shalt  }
0x6d: {  	_ =	shalt  }
0x6e: {  	_ =	shalt  }
0x6f: {  	_ =	shalt  }
0x70: {  	_ =	shalt  }
0x71: {  	_ =	shalt  }
0x72: {  	_ =	shalt  }
0x73: {  	_ =	shalt  }
0x74: {  	_ =	shalt  }
0x75: {  	_ =	shalt  }
0x76: {  	_ =	shalt  }
0x77: {  	_ =	shalt  }
0x78: {  	_ =	shalt  }
0x79: {  	_ =	shalt  }
0x7a: {  	_ =	shalt  }
0x7b: {  	_ =	shalt  }
0x7c: {  	_ =	shalt  }
0x7d: {  	_ =	shalt  }
0x7e: {  	_ =	shalt  }
0x7f: {  	_ =	shalt  }
0x80: {  	_ =	shalt  }
0x81: {  	_ =	shalt  }
0x82: {  	_ =	shalt  }
0x83: {  	_ =	shalt  }
0x84: {  	_ =	shalt  }
0x85: {  	_ =	shalt  }
0x86: {  	_ =	shalt  }
0x87: {  	_ =	shalt  }
.Lfunc_end0:
.L_simem_size_0:
called_computation_lowered:
.L_overlay_start_0:
0x88: {  	s2 =	sld [smem:$0x3FD9]  }
0x89: {  	s3 =	sld [smem:$0x3FFE];
	_ =	sdelay $0x1  }
0x8a: {  	s1 =	srdreg.scid  }
0x8b: {  	s0 =	sand.u32 $0x1, s1  }
0x8c: {  	s17 =	sshll.u32 s0, $0xA;
	s2 =	sadd.s32 s3, s2  }
0x8d: {  	s2 =	sadd.s32 s2, s17  }
0x8e: {  	[smem:$0x3FBF] =	sst s2  }
0x8f: {  	_ = 	snop  }
0x90: {  	s2 =	sld [smem:$0x3FC9]  }
0x91: {  	s18 =	sld [smem:$0x3FD0];
	(tm) =	ssettm $0x1  }
0x92: {  	s4 =	sld [smem:$0x3FFB];
	_ =	sdelay $0x3  }
0x93: {  	_ =	strace s4  }
0x94: {  	s4 =	sld [smem:$0x3FFC];
	_ =	sdelay $0x3  }
0x95: {  	_ =	strace s4  }
0x96: {  	s4 =	sld [smem:$0x3FFD];
	_ =	sdelay $0x3  }
0x97: {  	_ =	strace s4  }
0x98: {  	_ =	strace $0x8FFFFFFF  }
0x99: {  	s19 =	sld [smem:$0x3FDB];
	_ =	sdelay $0x1  }
0x9a: {  	s5 =	simm.s32 $_scs_section_size  }
0x9b: {  	s6 =	simm.s32 $_size__tile_overlayer_lowered;
	s7 =	simm.s32 $_tile_overlayer_lowered  }
0x9c: {  	s22 =	simm.s32 $0x1BFF;
	s21 =	sshll.u32 s7, $0x1;
	s4 =	sadd.s32 s5, s19  }
0x9d: {  	s8 =	simm.s32 $0x0;
	s20 =	sshll.u32 s6, $0x1;
	s6 =	sadd.s32 s21, s4  }
0x9e: {  	[timem:s8], [sflag:s22] =	dma.local [hbm:s6], s20  }
0x9f: {  	_ =	swait.ge [sflag:s22], s20  }
0xa0: {  	s5 =	ssub.s32 $0x0, s20;
	[sflag:s22] =	ssyncset.done $0x0  }
0xa1: {  	[sflag:s22] =	ssyncadd.s32 s5;
	_ =	sdelay $0x1  }
0xa2: {  	s23 =	simm.s32 $0x1B8B  }
0xa3: {  	_ =	swait.ge [sflag:s23], $0x1  }
0xa4: {  	[sflag:s23] =	ssyncset.done $0x0  }
0xa5: {  	s25 =	simm.s32 $0x1B8E;
	s24 =	sld [smem:$0x3FFE];
	[sflag:s23] =	ssyncadd.s32 $0xFFFFFFFF  }
0xa6: {  	s26 =	simm.s32 $execute0_lowered;
	[smem:$0x3FD2] =	sst s25  }
0xa7: {  	s6 =	sshll.u32 s26, $0x1;
	_ =	strace $0x80000046;
	[dreg:$0x1] =	wrdreg $0xFFFFFFFF  }
0xa8: {  	s28 =	simm.s32 $_size_execute0_lowered;
	s4 =	sadd.s32 s4, s6;
	[dreg:$0x0] =	wrdreg $0x0  }
0xa9: {  	s6 =	sshll.u32 s28, $0x1;
	[dreg:$0x2] =	wrdreg s4  }
0xaa: {  	[dreg:$0x3] =	wrdreg s6  }
0xab: {  	[dreg:$0x4] =	wrdreg $0xC0  }
0xac: {  	_ =	task [dreg:s8], $0x5FFFF  }
0xad: {  	[dreg:$0x1] =	wrdreg $0xFFFFFFFF  }
0xae: {  	[dreg:$0x0] =	wrdreg $0x60  }
0xaf: {  	[dreg:$0x2] =	wrdreg s2  }
0xb0: {  	[dreg:$0x3] =	wrdreg s18  }
0xb1: {  	[dreg:$0x4] =	wrdreg s24  }
0xb2: {  	[dreg:$0x5] =	wrdreg $0x9  }
0xb3: {  	_ =	task.clear_ibuf [dreg:s8], $0x6FFFF;
	_ =	strace $0x90000046  }
0xb4: {  	s29 =	simm.s32 $0x9;
	_ =	strace $0x80000048  }
0xb5: {  	_ =	swait.ge [sflag:s29], $0x1  }
0xb6: {  	[sflag:s29] =	ssyncadd.s32 $0xFFFFFFFF  }
0xb7: {  	_ =	strace $0x90000048  }
0xb8: {  	_ =	sfence  }
0xb9: {  	s30 =	sld [smem:$0x0];
	_ =	sdelay $0x2  }
0xba: {  	s31 =	sshll.u32 s1, $0xD;
	s1 =	sshrl.u32 s1, $0x2  }
0xbb: {  	s3 =	sand.u32 $0x4000, s31;
	s1 =	sadd.s32 s1, s30  }
0xbc: {  	s0 =	sor.u32 s3, s0;
	s1 =	sshll.u32 s1, $0x11  }
0xbd: {  	s0 =	sor.u32 s1, s0  }
0xbe: {  	s0 =	sadd.s32 $0x8F2B, s0  }
0xbf: {  	[sflag:s0] =	ssyncadd.remote.s32 $0x1  }
0xc0: {  	_ =	sfence.sel $0xFFFF  }
0xc1: {  	[dreg:$0x0] =	wrdreg $0xFFFFFFFF;
	(pc) =	sbr.abs _section_cstart, $3  }
0xc2: {  	[dreg:$0x1] =	wrdreg $0xFFFFFFFF  }
0xc3: {  	_ =	task.clear_ibuf [dreg:s8], $0x2FFFF;
	_ =	strace $0x9FFFFFFF  }
0xc4: {  	(tm) =	ssettm $0x7FFFFFFF  }
0xc5: {  	_ =	shalt  }
tec
execute0_lowered:
.L_overlay_start_1:
0x0: {  	(tag) =	ssettag $0x1  }
0x1: {  	s1 =	rddreg [dreg:$0x0]  }
0x2: {  	s0 =	rddreg [dreg:$0x1]  }
0x3: {  	s2 =	rddreg [dreg:$0x2]  }
0x4: {  	s3 =	srdreg.scid;
	s4 =	stileid.u32;
	s26 =	simm.s32 $0x80  }
0x5: {  	s19 =	simm.s32 $0x1100;
	s20 =	simm.s32 $0x1900;
	s21 =	simm.s32 $0x2100  }
0x6: {  	s22 =	simm.s32 $0x2900;
	s23 =	simm.s32 $0x3100;
	s28 =	simm.s32 $0x5100  }
0x7: {  	s29 =	simm.s32 $0x5900;
	s30 =	simm.s32 $0x6100;
	s31 =	simm.s32 $0x6900  }
0x8: {  	s11 =	simm.s32 $0x8100;
	s12 =	simm.s32 $0x8900;
	s13 =	simm.s32 $0x9100  }
0x9: {  	s14 =	simm.s32 $0x9900;
	s15 =	simm.s32 $0xA100;
	s16 =	simm.s32 $0xA900  }
0xa: {  	s10 =	simm.s32 $0xB100;
	s5 =	sand.u32 $0x1, s3;
	s3 =	simm.s32 $0x0  }
0xb: {  	s4 =	sshll.u32 s4, $0x5;
	s8 =	sadd.s32 $0x2600, s2;
	s6 =	sshll.u32 s5, $0x4  }
0xc: {  	[smem:$0x7FF] =	sst s3;
	s5 =	ssub.s32 $0x2, s5;
	s6 =	sor.u32 s6, s4  }
0xd: {  	_ =	strace $0x80000047;
	s4 =	sadd.s32 $0x2400, s2;
	s24 =	sshrl.u32 s5, $0x1  }
0xe: {  	[dreg:$0x6] =	wrdreg s26;
	s26 =	simm.s32 $0x4900;
	s7 =	sadd.s32 s6, s2  }
0xf: {  	s0 =	sadd.s32 s0, s6;
	s9 =	ssub.s32 s5, s24;
	s5 =	sadd.s32 $0x100, s1  }
0x10: {  	v2 =	vlaneseq.u32;
	s6 =	sadd.s32 $0x200, s1;
	s24 =	simm.s32 $0x3900;
	[dreg:$0x4] =	wrdreg s0  }
0x11: {  	vm0 =	vmmov $0xffff;
	v1 =	vshrl.u32 v2, $0x3;
	s25 =	sadd.s32 $0x2000, s7;
	s7 =	sadd.s32 $0x2500, s2;
	s9 =	smax.u32 s9, $0x1  }
0x12: {  	v0 =	vand.u32 $0x7, v2;
	v2 =	vor.u32 $0x8, v2;
	v1 =	vmul.u32 $0x8, v1;
	s2 =	simm.s32 $0x7900;
	[dreg:$0x5] =	wrdreg s25;
	s25 =	simm.s32 $0x4100  }
.LBB2_1:
0x13: {  	s17 =	rddreg [dreg:$0x4];
	s0 =	simm.s32 $0x3  }
0x14: {  	[tilespmem:s3], [sflag:$0x3] =	stream.linear.gather [hbm4b:s17+s3], $0x80, $0x38;
	[tilespmem:$0x18100] =	vst v63  }
0x15: {  	_ =	swait.ge [sflag:s0], $0x80  }
0x16: {  	s17 =	rddreg [dreg:$0x5];
	[sflag:s0] =	ssyncset.done $0x0  }
0x17: {  	s18 =	rddreg [dreg:$0x6];
	[sflag:s0] =	ssyncadd.s32 $0xFFFFFF80  }
0x18: {  	[tilespmem:s18], [sflag:$0x3] =	stream.linear.gather [hbm4b:s17+s3], $0x80, $0x38;
	[tilespmem:$0x18100] =	vst v63  }
0x19: {  	_ =	swait.ge [sflag:s0], $0x80  }
0x1a: {  	[sflag:s0] =	ssyncset.done $0x0  }
0x1b: {  	[sflag:s0] =	ssyncadd.s32 $0xFFFFFF80  }
0x1c: {  	v3 =	vld [tilespmem:$0x0];
	_ =	sdelay $0x4  }
0x1d: {  	v4 =	vshrl.u32 v3, $0x3  }
0x1e: {  	v4 =	vmul.u32 $0x30, v4  }
0x1f: {  	v3 =	vand.u32 $0x7, v3  }
0x20: {  	v3 =	vor.u32 v3, v4  }
0x21: {  	v4 =	vperm.xlane v3, v0;
	_ =	sdelay $0x1  }
0x22: {  	v4 =	vadd.s32 v1, v4;
	_ =	sdelay $0x3  }
0x23: {  	s17 =	simm.s32 $0x100;
	v3 =	vperm.xlane v3, v2  }
0x24: {  	[tilespmem:s17], [sflag:$0x1] =	stream.indirect_vreg.gather [hbm4b:s1+s3], $0x80, v4, vm0, $0xb8;
	[tilespmem:$0x18100] =	vst v63  }
0x25: {  	s18 =	simm.s32 $0x900;
	v3 =	vadd.s32 v1, v3  }
0x26: {  	[tilespmem:s18], [sflag:$0x1] =	stream.indirect_vreg.gather [hbm4b:s5+s3], $0x80, v4, vm0, $0xb8;
	[tilespmem:$0x18100] =	vst v63  }
0x27: {  	_ = 	snop  }
0x28: {  	[tilespmem:s19], [sflag:$0x1] =	stream.indirect_vreg.gather [hbm4b:s6+s3], $0x80, v4, vm0, $0xb8;
	[tilespmem:$0x18100] =	vst v63  }
0x29: {  	_ = 	snop  }
0x2a: {  	[tilespmem:s20], [sflag:$0x1] =	stream.indirect_vreg.gather [hbm4b:s1+s3], $0x80, v3, vm0, $0xb8;
	[tilespmem:$0x18100] =	vst v63  }
0x2b: {  	_ = 	snop  }
0x2c: {  	[tilespmem:s21], [sflag:$0x1] =	stream.indirect_vreg.gather [hbm4b:s5+s3], $0x80, v3, vm0, $0xb8;
	[tilespmem:$0x18100] =	vst v63  }
0x2d: {  	_ = 	snop  }
0x2e: {  	[tilespmem:s22], [sflag:$0x1] =	stream.indirect_vreg.gather [hbm4b:s6+s3], $0x80, v3, vm0, $0xb8;
	[tilespmem:$0x18100] =	vst v63  }
0x2f: {  	v3 =	vld [tilespmem:$0x10];
	_ =	sdelay $0x4  }
0x30: {  	v49 =	vshrl.u32 v3, $0x3  }
0x31: {  	v4 =	vmul.u32 $0x30, v49  }
0x32: {  	v3 =	vand.u32 $0x7, v3  }
0x33: {  	v3 =	vor.u32 v3, v4  }
0x34: {  	v4 =	vperm.xlane v3, v0;
	_ =	sdelay $0x1  }
0x35: {  	v4 =	vadd.s32 v1, v4;
	_ =	sdelay $0x3  }
0x36: {  	v3 =	vperm.xlane v3, v2  }
0x37: {  	[tilespmem:s23], [sflag:$0x1] =	stream.indirect_vreg.gather [hbm4b:s1+s3], $0x80, v4, vm0, $0xb8;
	[tilespmem:$0x18100] =	vst v63  }
0x38: {  	v3 =	vadd.s32 v1, v3  }
0x39: {  	[tilespmem:s24], [sflag:$0x1] =	stream.indirect_vreg.gather [hbm4b:s5+s3], $0x80, v4, vm0, $0xb8;
	[tilespmem:$0x18100] =	vst v63  }
0x3a: {  	_ = 	snop  }
0x3b: {  	[tilespmem:s25], [sflag:$0x1] =	stream.indirect_vreg.gather [hbm4b:s6+s3], $0x80, v4, vm0, $0xb8;
	[tilespmem:$0x18100] =	vst v63  }
0x3c: {  	_ = 	snop  }
0x3d: {  	[tilespmem:s26], [sflag:$0x1] =	stream.indirect_vreg.gather [hbm4b:s1+s3], $0x80, v3, vm0, $0xb8;
	[tilespmem:$0x18100] =	vst v63  }
0x3e: {  	_ = 	snop  }
0x3f: {  	[tilespmem:s28], [sflag:$0x1] =	stream.indirect_vreg.gather [hbm4b:s5+s3], $0x80, v3, vm0, $0xb8;
	[tilespmem:$0x18100] =	vst v63  }
0x40: {  	_ = 	snop  }
0x41: {  	[tilespmem:s29], [sflag:$0x1] =	stream.indirect_vreg.gather [hbm4b:s6+s3], $0x80, v3, vm0, $0xb8;
	[tilespmem:$0x18100] =	vst v63  }
0x42: {  	v3 =	vld [tilespmem:$0x20];
	_ =	sdelay $0x4  }
0x43: {  	v50 =	vshrl.u32 v3, $0x3  }
0x44: {  	v4 =	vmul.u32 $0x30, v50  }
0x45: {  	v3 =	vand.u32 $0x7, v3  }
0x46: {  	v3 =	vor.u32 v3, v4  }
0x47: {  	v4 =	vperm.xlane v3, v0;
	_ =	sdelay $0x1  }
0x48: {  	v4 =	vadd.s32 v1, v4;
	_ =	sdelay $0x3  }
0x49: {  	v3 =	vperm.xlane v3, v2  }
0x4a: {  	[tilespmem:s30], [sflag:$0x1] =	stream.indirect_vreg.gather [hbm4b:s1+s3], $0x80, v4, vm0, $0xb8;
	[tilespmem:$0x18100] =	vst v63  }
0x4b: {  	v3 =	vadd.s32 v1, v3  }
0x4c: {  	[tilespmem:s31], [sflag:$0x1] =	stream.indirect_vreg.gather [hbm4b:s5+s3], $0x80, v4, vm0, $0xb8;
	[tilespmem:$0x18100] =	vst v63  }
0x4d: {  	s0 =	simm.s32 $0x7100  }
0x4e: {  	[tilespmem:s0], [sflag:$0x1] =	stream.indirect_vreg.gather [hbm4b:s6+s3], $0x80, v4, vm0, $0xb8;
	[tilespmem:$0x18100] =	vst v63  }
0x4f: {  	_ = 	snop  }
0x50: {  	[tilespmem:s2], [sflag:$0x1] =	stream.indirect_vreg.gather [hbm4b:s1+s3], $0x80, v3, vm0, $0xb8;
	[tilespmem:$0x18100] =	vst v63  }
0x51: {  	_ = 	snop  }
0x52: {  	[tilespmem:s11], [sflag:$0x1] =	stream.indirect_vreg.gather [hbm4b:s5+s3], $0x80, v3, vm0, $0xb8;
	[tilespmem:$0x18100] =	vst v63  }
0x53: {  	_ = 	snop  }
0x54: {  	[tilespmem:s12], [sflag:$0x1] =	stream.indirect_vreg.gather [hbm4b:s6+s3], $0x80, v3, vm0, $0xb8;
	[tilespmem:$0x18100] =	vst v63  }
0x55: {  	v3 =	vld [tilespmem:$0x30];
	_ =	sdelay $0x4  }
0x56: {  	v51 =	vshrl.u32 v3, $0x3  }
0x57: {  	v4 =	vmul.u32 $0x30, v51  }
0x58: {  	v3 =	vand.u32 $0x7, v3  }
0x59: {  	v3 =	vor.u32 v3, v4  }
0x5a: {  	v4 =	vperm.xlane v3, v0;
	_ =	sdelay $0x1  }
0x5b: {  	v4 =	vadd.s32 v1, v4;
	_ =	sdelay $0x3  }
0x5c: {  	v3 =	vperm.xlane v3, v2  }
0x5d: {  	[tilespmem:s13], [sflag:$0x1] =	stream.indirect_vreg.gather [hbm4b:s1+s3], $0x80, v4, vm0, $0xb8;
	[tilespmem:$0x18100] =	vst v63  }
0x5e: {  	v3 =	vadd.s32 v1, v3  }
0x5f: {  	[tilespmem:s14], [sflag:$0x1] =	stream.indirect_vreg.gather [hbm4b:s5+s3], $0x80, v4, vm0, $0xb8;
	[tilespmem:$0x18100] =	vst v63  }
0x60: {  	_ = 	snop  }
0x61: {  	[tilespmem:s15], [sflag:$0x1] =	stream.indirect_vreg.gather [hbm4b:s6+s3], $0x80, v4, vm0, $0xb8;
	[tilespmem:$0x18100] =	vst v63  }
0x62: {  	_ = 	snop  }
0x63: {  	[tilespmem:s16], [sflag:$0x1] =	stream.indirect_vreg.gather [hbm4b:s1+s3], $0x80, v3, vm0, $0xb8;
	[tilespmem:$0x18100] =	vst v63  }
0x64: {  	_ = 	snop  }
0x65: {  	[tilespmem:s10], [sflag:$0x1] =	stream.indirect_vreg.gather [hbm4b:s5+s3], $0x80, v3, vm0, $0xb8;
	[tilespmem:$0x18100] =	vst v63  }
0x66: {  	s0 =	simm.s32 $0xB900  }
0x67: {  	[tilespmem:s0], [sflag:$0x1] =	stream.indirect_vreg.gather [hbm4b:s6+s3], $0x80, v3, vm0, $0xb8;
	[tilespmem:$0x18100] =	vst v63  }
0x68: {  	v3 =	vld [tilespmem:$0x40];
	_ =	sdelay $0x4  }
0x69: {  	v52 =	vshrl.u32 v3, $0x3  }
0x6a: {  	v4 =	vmul.u32 $0x30, v52  }
0x6b: {  	v3 =	vand.u32 $0x7, v3  }
0x6c: {  	v3 =	vor.u32 v3, v4  }
0x6d: {  	v4 =	vperm.xlane v3, v0;
	_ =	sdelay $0x1  }
0x6e: {  	v4 =	vadd.s32 v1, v4;
	_ =	sdelay $0x3  }
0x6f: {  	s0 =	simm.s32 $0xC100;
	v3 =	vperm.xlane v3, v2  }
0x70: {  	[tilespmem:s0], [sflag:$0x1] =	stream.indirect_vreg.gather [hbm4b:s1+s3], $0x80, v4, vm0, $0xb8;
	[tilespmem:$0x18100] =	vst v63  }
0x71: {  	v3 =	vadd.s32 v1, v3;
	s0 =	simm.s32 $0xC900  }
0x72: {  	[tilespmem:s0], [sflag:$0x1] =	stream.indirect_vreg.gather [hbm4b:s5+s3], $0x80, v4, vm0, $0xb8;
	[tilespmem:$0x18100] =	vst v63  }
0x73: {  	s0 =	simm.s32 $0xD100  }
0x74: {  	[tilespmem:s0], [sflag:$0x1] =	stream.indirect_vreg.gather [hbm4b:s6+s3], $0x80, v4, vm0, $0xb8;
	[tilespmem:$0x18100] =	vst v63  }
0x75: {  	s0 =	simm.s32 $0xD900  }
0x76: {  	[tilespmem:s0], [sflag:$0x1] =	stream.indirect_vreg.gather [hbm4b:s1+s3], $0x80, v3, vm0, $0xb8;
	[tilespmem:$0x18100] =	vst v63  }
0x77: {  	s0 =	simm.s32 $0xE100  }
0x78: {  	[tilespmem:s0], [sflag:$0x1] =	stream.indirect_vreg.gather [hbm4b:s5+s3], $0x80, v3, vm0, $0xb8;
	[tilespmem:$0x18100] =	vst v63  }
0x79: {  	s0 =	simm.s32 $0xE900  }
0x7a: {  	[tilespmem:s0], [sflag:$0x1] =	stream.indirect_vreg.gather [hbm4b:s6+s3], $0x80, v3, vm0, $0xb8;
	[tilespmem:$0x18100] =	vst v63  }
0x7b: {  	v3 =	vld [tilespmem:$0x50];
	_ =	sdelay $0x4  }
0x7c: {  	v53 =	vshrl.u32 v3, $0x3  }
0x7d: {  	v4 =	vmul.u32 $0x30, v53  }
0x7e: {  	v3 =	vand.u32 $0x7, v3  }
0x7f: {  	v3 =	vor.u32 v3, v4  }
0x80: {  	v4 =	vperm.xlane v3, v0;
	_ =	sdelay $0x1  }
0x81: {  	v4 =	vadd.s32 v1, v4;
	_ =	sdelay $0x3  }
0x82: {  	s0 =	simm.s32 $0xF100;
	v3 =	vperm.xlane v3, v2  }
0x83: {  	[tilespmem:s0], [sflag:$0x1] =	stream.indirect_vreg.gather [hbm4b:s1+s3], $0x80, v4, vm0, $0xb8;
	[tilespmem:$0x18100] =	vst v63  }
0x84: {  	v3 =	vadd.s32 v1, v3;
	s0 =	simm.s32 $0xF900  }
0x85: {  	[tilespmem:s0], [sflag:$0x1] =	stream.indirect_vreg.gather [hbm4b:s5+s3], $0x80, v4, vm0, $0xb8;
	[tilespmem:$0x18100] =	vst v63  }
0x86: {  	s0 =	simm.s32 $0x10100  }
0x87: {  	[tilespmem:s0], [sflag:$0x1] =	stream.indirect_vreg.gather [hbm4b:s6+s3], $0x80, v4, vm0, $0xb8;
	[tilespmem:$0x18100] =	vst v63  }
0x88: {  	s0 =	simm.s32 $0x10900  }
0x89: {  	[tilespmem:s0], [sflag:$0x1] =	stream.indirect_vreg.gather [hbm4b:s1+s3], $0x80, v3, vm0, $0xb8;
	[tilespmem:$0x18100] =	vst v63  }
0x8a: {  	s0 =	simm.s32 $0x11100  }
0x8b: {  	[tilespmem:s0], [sflag:$0x1] =	stream.indirect_vreg.gather [hbm4b:s5+s3], $0x80, v3, vm0, $0xb8;
	[tilespmem:$0x18100] =	vst v63  }
0x8c: {  	s0 =	simm.s32 $0x11900  }
0x8d: {  	[tilespmem:s0], [sflag:$0x1] =	stream.indirect_vreg.gather [hbm4b:s6+s3], $0x80, v3, vm0, $0xb8;
	[tilespmem:$0x18100] =	vst v63  }
0x8e: {  	v3 =	vld [tilespmem:$0x60];
	_ =	sdelay $0x4  }
0x8f: {  	v54 =	vshrl.u32 v3, $0x3  }
0x90: {  	v4 =	vmul.u32 $0x30, v54  }
0x91: {  	v3 =	vand.u32 $0x7, v3  }
0x92: {  	v3 =	vor.u32 v3, v4  }
0x93: {  	v4 =	vperm.xlane v3, v0;
	_ =	sdelay $0x1  }
0x94: {  	v4 =	vadd.s32 v1, v4;
	_ =	sdelay $0x3  }
0x95: {  	s0 =	simm.s32 $0x12100;
	v3 =	vperm.xlane v3, v2  }
0x96: {  	[tilespmem:s0], [sflag:$0x1] =	stream.indirect_vreg.gather [hbm4b:s1+s3], $0x80, v4, vm0, $0xb8;
	[tilespmem:$0x18100] =	vst v63  }
0x97: {  	v3 =	vadd.s32 v1, v3;
	s0 =	simm.s32 $0x12900  }
0x98: {  	[tilespmem:s0], [sflag:$0x1] =	stream.indirect_vreg.gather [hbm4b:s5+s3], $0x80, v4, vm0, $0xb8;
	[tilespmem:$0x18100] =	vst v63  }
0x99: {  	s0 =	simm.s32 $0x13100  }
0x9a: {  	[tilespmem:s0], [sflag:$0x1] =	stream.indirect_vreg.gather [hbm4b:s6+s3], $0x80, v4, vm0, $0xb8;
	[tilespmem:$0x18100] =	vst v63  }
0x9b: {  	s0 =	simm.s32 $0x13900  }
0x9c: {  	[tilespmem:s0], [sflag:$0x1] =	stream.indirect_vreg.gather [hbm4b:s1+s3], $0x80, v3, vm0, $0xb8;
	[tilespmem:$0x18100] =	vst v63  }
0x9d: {  	s0 =	simm.s32 $0x14100  }
0x9e: {  	[tilespmem:s0], [sflag:$0x1] =	stream.indirect_vreg.gather [hbm4b:s5+s3], $0x80, v3, vm0, $0xb8;
	[tilespmem:$0x18100] =	vst v63  }
0x9f: {  	s0 =	simm.s32 $0x14900  }
0xa0: {  	[tilespmem:s0], [sflag:$0x1] =	stream.indirect_vreg.gather [hbm4b:s6+s3], $0x80, v3, vm0, $0xb8;
	[tilespmem:$0x18100] =	vst v63  }
0xa1: {  	v3 =	vld [tilespmem:$0x70];
	_ =	sdelay $0x4  }
0xa2: {  	v55 =	vshrl.u32 v3, $0x3  }
0xa3: {  	v4 =	vmul.u32 $0x30, v55  }
0xa4: {  	v3 =	vand.u32 $0x7, v3  }
0xa5: {  	v3 =	vor.u32 v3, v4  }
0xa6: {  	v4 =	vperm.xlane v3, v0;
	_ =	sdelay $0x1  }
0xa7: {  	v4 =	vadd.s32 v1, v4;
	_ =	sdelay $0x3  }
0xa8: {  	s0 =	simm.s32 $0x15100;
	v3 =	vperm.xlane v3, v2  }
0xa9: {  	[tilespmem:s0], [sflag:$0x1] =	stream.indirect_vreg.gather [hbm4b:s1+s3], $0x80, v4, vm0, $0xb8;
	[tilespmem:$0x18100] =	vst v63  }
0xaa: {  	v3 =	vadd.s32 v1, v3;
	s0 =	simm.s32 $0x15900  }
0xab: {  	[tilespmem:s0], [sflag:$0x1] =	stream.indirect_vreg.gather [hbm4b:s5+s3], $0x80, v4, vm0, $0xb8;
	[tilespmem:$0x18100] =	vst v63  }
0xac: {  	s0 =	simm.s32 $0x16100  }
0xad: {  	[tilespmem:s0], [sflag:$0x1] =	stream.indirect_vreg.gather [hbm4b:s6+s3], $0x80, v4, vm0, $0xb8;
	[tilespmem:$0x18100] =	vst v63  }
0xae: {  	s0 =	simm.s32 $0x16900  }
0xaf: {  	[tilespmem:s0], [sflag:$0x1] =	stream.indirect_vreg.gather [hbm4b:s1+s3], $0x80, v3, vm0, $0xb8;
	[tilespmem:$0x18100] =	vst v63  }
0xb0: {  	s0 =	simm.s32 $0x17100  }
0xb1: {  	[tilespmem:s0], [sflag:$0x1] =	stream.indirect_vreg.gather [hbm4b:s5+s3], $0x80, v3, vm0, $0xb8;
	[tilespmem:$0x18100] =	vst v63  }
0xb2: {  	s0 =	simm.s32 $0x17900  }
0xb3: {  	[tilespmem:s0], [sflag:$0x1] =	stream.indirect_vreg.gather [hbm4b:s6+s3], $0x80, v3, vm0, $0xb8;
	[tilespmem:$0x18100] =	vst v63  }
0xb4: {  	s0 =	simm.s32 $0x1  }
0xb5: {  	_ =	swait.ge [sflag:s0], $0x18000  }
0xb6: {  	[sflag:s0] =	ssyncset.done $0x0  }
0xb7: {  	[sflag:s0] =	ssyncadd.s32 $0xFFFE8000  }
0xb8: {  	v3 =	vld [tilespmem:$0x80];
	_ =	sdelay $0x4  }
0xb9: {  	v56 =	vshrl.u32 v3, $0x3  }
0xba: {  	v4 =	vmul.u32 $0x30, v56  }
0xbb: {  	v3 =	vand.u32 $0x7, v3  }
0xbc: {  	v3 =	vor.u32 v3, v4  }
0xbd: {  	v4 =	vperm.xlane v3, v0;
	_ =	sdelay $0x1  }
0xbe: {  	v4 =	vadd.s32 v1, v4;
	_ =	sdelay $0x3  }
0xbf: {  	v3 =	vperm.xlane v3, v2  }
0xc0: {  	[hbm4b:s4+s3] =	stream.indirect_vreg.scatter [tilespmem:s17], [sflag:$0x2], $0x80, v4, vm0, $0xb8;
	[tilespmem:$0x18100] =	vst v63  }
0xc1: {  	v3 =	vadd.s32 v1, v3  }
0xc2: {  	[hbm4b:s7+s3] =	stream.indirect_vreg.scatter [tilespmem:s18], [sflag:$0x2], $0x80, v4, vm0, $0xb8;
	[tilespmem:$0x18100] =	vst v63  }
0xc3: {  	_ = 	snop  }
0xc4: {  	[hbm4b:s8+s3] =	stream.indirect_vreg.scatter [tilespmem:s19], [sflag:$0x2], $0x80, v4, vm0, $0xb8;
	[tilespmem:$0x18100] =	vst v63  }
0xc5: {  	_ = 	snop  }
0xc6: {  	[hbm4b:s4+s3] =	stream.indirect_vreg.scatter [tilespmem:s20], [sflag:$0x2], $0x80, v3, vm0, $0xb8;
	[tilespmem:$0x18100] =	vst v63  }
0xc7: {  	_ = 	snop  }
0xc8: {  	[hbm4b:s7+s3] =	stream.indirect_vreg.scatter [tilespmem:s21], [sflag:$0x2], $0x80, v3, vm0, $0xb8;
	[tilespmem:$0x18100] =	vst v63  }
0xc9: {  	_ = 	snop  }
0xca: {  	[hbm4b:s8+s3] =	stream.indirect_vreg.scatter [tilespmem:s22], [sflag:$0x2], $0x80, v3, vm0, $0xb8;
	[tilespmem:$0x18100] =	vst v63  }
0xcb: {  	v3 =	vld [tilespmem:$0x90];
	_ =	sdelay $0x4  }
0xcc: {  	v57 =	vshrl.u32 v3, $0x3  }
0xcd: {  	v4 =	vmul.u32 $0x30, v57  }
0xce: {  	v3 =	vand.u32 $0x7, v3  }
0xcf: {  	v3 =	vor.u32 v3, v4  }
0xd0: {  	v4 =	vperm.xlane v3, v0;
	_ =	sdelay $0x1  }
0xd1: {  	v4 =	vadd.s32 v1, v4;
	_ =	sdelay $0x3  }
0xd2: {  	v3 =	vperm.xlane v3, v2  }
0xd3: {  	[hbm4b:s4+s3] =	stream.indirect_vreg.scatter [tilespmem:s23], [sflag:$0x2], $0x80, v4, vm0, $0xb8;
	[tilespmem:$0x18100] =	vst v63  }
0xd4: {  	v3 =	vadd.s32 v1, v3  }
0xd5: {  	[hbm4b:s7+s3] =	stream.indirect_vreg.scatter [tilespmem:s24], [sflag:$0x2], $0x80, v4, vm0, $0xb8;
	[tilespmem:$0x18100] =	vst v63  }
0xd6: {  	_ = 	snop  }
0xd7: {  	[hbm4b:s8+s3] =	stream.indirect_vreg.scatter [tilespmem:s25], [sflag:$0x2], $0x80, v4, vm0, $0xb8;
	[tilespmem:$0x18100] =	vst v63  }
0xd8: {  	_ = 	snop  }
0xd9: {  	[hbm4b:s4+s3] =	stream.indirect_vreg.scatter [tilespmem:s26], [sflag:$0x2], $0x80, v3, vm0, $0xb8;
	[tilespmem:$0x18100] =	vst v63  }
0xda: {  	_ = 	snop  }
0xdb: {  	[hbm4b:s7+s3] =	stream.indirect_vreg.scatter [tilespmem:s28], [sflag:$0x2], $0x80, v3, vm0, $0xb8;
	[tilespmem:$0x18100] =	vst v63  }
0xdc: {  	_ = 	snop  }
0xdd: {  	[hbm4b:s8+s3] =	stream.indirect_vreg.scatter [tilespmem:s29], [sflag:$0x2], $0x80, v3, vm0, $0xb8;
	[tilespmem:$0x18100] =	vst v63  }
0xde: {  	v3 =	vld [tilespmem:$0xA0];
	_ =	sdelay $0x4  }
0xdf: {  	v58 =	vshrl.u32 v3, $0x3  }
0xe0: {  	v4 =	vmul.u32 $0x30, v58  }
0xe1: {  	v3 =	vand.u32 $0x7, v3  }
0xe2: {  	v3 =	vor.u32 v3, v4  }
0xe3: {  	v4 =	vperm.xlane v3, v0;
	_ =	sdelay $0x1  }
0xe4: {  	v4 =	vadd.s32 v1, v4;
	_ =	sdelay $0x3  }
0xe5: {  	v3 =	vperm.xlane v3, v2  }
0xe6: {  	[hbm4b:s4+s3] =	stream.indirect_vreg.scatter [tilespmem:s30], [sflag:$0x2], $0x80, v4, vm0, $0xb8;
	[tilespmem:$0x18100] =	vst v63  }
0xe7: {  	v3 =	vadd.s32 v1, v3  }
0xe8: {  	[hbm4b:s7+s3] =	stream.indirect_vreg.scatter [tilespmem:s31], [sflag:$0x2], $0x80, v4, vm0, $0xb8;
	[tilespmem:$0x18100] =	vst v63  }
0xe9: {  	s18 =	simm.s32 $0x7100  }
0xea: {  	[hbm4b:s8+s3] =	stream.indirect_vreg.scatter [tilespmem:s18], [sflag:$0x2], $0x80, v4, vm0, $0xb8;
	[tilespmem:$0x18100] =	vst v63  }
0xeb: {  	_ = 	snop  }
0xec: {  	[hbm4b:s4+s3] =	stream.indirect_vreg.scatter [tilespmem:s2], [sflag:$0x2], $0x80, v3, vm0, $0xb8;
	[tilespmem:$0x18100] =	vst v63  }
0xed: {  	_ = 	snop  }
0xee: {  	[hbm4b:s7+s3] =	stream.indirect_vreg.scatter [tilespmem:s11], [sflag:$0x2], $0x80, v3, vm0, $0xb8;
	[tilespmem:$0x18100] =	vst v63  }
0xef: {  	_ = 	snop  }
0xf0: {  	[hbm4b:s8+s3] =	stream.indirect_vreg.scatter [tilespmem:s12], [sflag:$0x2], $0x80, v3, vm0, $0xb8;
	[tilespmem:$0x18100] =	vst v63  }
0xf1: {  	v3 =	vld [tilespmem:$0xB0];
	_ =	sdelay $0x4  }
0xf2: {  	v59 =	vshrl.u32 v3, $0x3  }
0xf3: {  	v4 =	vmul.u32 $0x30, v59  }
0xf4: {  	v3 =	vand.u32 $0x7, v3  }
0xf5: {  	v3 =	vor.u32 v3, v4  }
0xf6: {  	v4 =	vperm.xlane v3, v0;
	_ =	sdelay $0x1  }
0xf7: {  	v4 =	vadd.s32 v1, v4;
	_ =	sdelay $0x3  }
0xf8: {  	v3 =	vperm.xlane v3, v2  }
0xf9: {  	[hbm4b:s4+s3] =	stream.indirect_vreg.scatter [tilespmem:s13], [sflag:$0x2], $0x80, v4, vm0, $0xb8;
	[tilespmem:$0x18100] =	vst v63  }
0xfa: {  	v3 =	vadd.s32 v1, v3  }
0xfb: {  	[hbm4b:s7+s3] =	stream.indirect_vreg.scatter [tilespmem:s14], [sflag:$0x2], $0x80, v4, vm0, $0xb8;
	[tilespmem:$0x18100] =	vst v63  }
0xfc: {  	_ = 	snop  }
0xfd: {  	[hbm4b:s8+s3] =	stream.indirect_vreg.scatter [tilespmem:s15], [sflag:$0x2], $0x80, v4, vm0, $0xb8;
	[tilespmem:$0x18100] =	vst v63  }
0xfe: {  	_ = 	snop  }
0xff: {  	[hbm4b:s4+s3] =	stream.indirect_vreg.scatter [tilespmem:s16], [sflag:$0x2], $0x80, v3, vm0, $0xb8;
	[tilespmem:$0x18100] =	vst v63  }
0x100: {  	_ = 	snop  }
0x101: {  	[hbm4b:s7+s3] =	stream.indirect_vreg.scatter [tilespmem:s10], [sflag:$0x2], $0x80, v3, vm0, $0xb8;
	[tilespmem:$0x18100] =	vst v63  }
0x102: {  	s17 =	simm.s32 $0xB900  }
0x103: {  	[hbm4b:s8+s3] =	stream.indirect_vreg.scatter [tilespmem:s17], [sflag:$0x2], $0x80, v3, vm0, $0xb8;
	[tilespmem:$0x18100] =	vst v63  }
0x104: {  	v3 =	vld [tilespmem:$0xC0];
	_ =	sdelay $0x4  }
0x105: {  	v60 =	vshrl.u32 v3, $0x3  }
0x106: {  	v4 =	vmul.u32 $0x30, v60  }
0x107: {  	v3 =	vand.u32 $0x7, v3  }
0x108: {  	v3 =	vor.u32 v3, v4  }
0x109: {  	v4 =	vperm.xlane v3, v0;
	_ =	sdelay $0x1  }
0x10a: {  	v4 =	vadd.s32 v1, v4;
	_ =	sdelay $0x3  }
0x10b: {  	s18 =	simm.s32 $0xC100;
	v3 =	vperm.xlane v3, v2  }
0x10c: {  	[hbm4b:s4+s3] =	stream.indirect_vreg.scatter [tilespmem:s18], [sflag:$0x2], $0x80, v4, vm0, $0xb8;
	[tilespmem:$0x18100] =	vst v63  }
0x10d: {  	s17 =	simm.s32 $0xC900;
	v3 =	vadd.s32 v1, v3  }
0x10e: {  	[hbm4b:s7+s3] =	stream.indirect_vreg.scatter [tilespmem:s17], [sflag:$0x2], $0x80, v4, vm0, $0xb8;
	[tilespmem:$0x18100] =	vst v63  }
0x10f: {  	s18 =	simm.s32 $0xD100  }
0x110: {  	[hbm4b:s8+s3] =	stream.indirect_vreg.scatter [tilespmem:s18], [sflag:$0x2], $0x80, v4, vm0, $0xb8;
	[tilespmem:$0x18100] =	vst v63  }
0x111: {  	s17 =	simm.s32 $0xD900  }
0x112: {  	[hbm4b:s4+s3] =	stream.indirect_vreg.scatter [tilespmem:s17], [sflag:$0x2], $0x80, v3, vm0, $0xb8;
	[tilespmem:$0x18100] =	vst v63  }
0x113: {  	s18 =	simm.s32 $0xE100  }
0x114: {  	[hbm4b:s7+s3] =	stream.indirect_vreg.scatter [tilespmem:s18], [sflag:$0x2], $0x80, v3, vm0, $0xb8;
	[tilespmem:$0x18100] =	vst v63  }
0x115: {  	s17 =	simm.s32 $0xE900  }
0x116: {  	[hbm4b:s8+s3] =	stream.indirect_vreg.scatter [tilespmem:s17], [sflag:$0x2], $0x80, v3, vm0, $0xb8;
	[tilespmem:$0x18100] =	vst v63  }
0x117: {  	v3 =	vld [tilespmem:$0xD0];
	_ =	sdelay $0x4  }
0x118: {  	v61 =	vshrl.u32 v3, $0x3  }
0x119: {  	v4 =	vmul.u32 $0x30, v61  }
0x11a: {  	v3 =	vand.u32 $0x7, v3  }
0x11b: {  	v3 =	vor.u32 v3, v4  }
0x11c: {  	v4 =	vperm.xlane v3, v0;
	_ =	sdelay $0x1  }
0x11d: {  	v4 =	vadd.s32 v1, v4;
	_ =	sdelay $0x3  }
0x11e: {  	s18 =	simm.s32 $0xF100;
	v3 =	vperm.xlane v3, v2  }
0x11f: {  	[hbm4b:s4+s3] =	stream.indirect_vreg.scatter [tilespmem:s18], [sflag:$0x2], $0x80, v4, vm0, $0xb8;
	[tilespmem:$0x18100] =	vst v63  }
0x120: {  	s17 =	simm.s32 $0xF900;
	v3 =	vadd.s32 v1, v3  }
0x121: {  	[hbm4b:s7+s3] =	stream.indirect_vreg.scatter [tilespmem:s17], [sflag:$0x2], $0x80, v4, vm0, $0xb8;
	[tilespmem:$0x18100] =	vst v63  }
0x122: {  	s18 =	simm.s32 $0x10100  }
0x123: {  	[hbm4b:s8+s3] =	stream.indirect_vreg.scatter [tilespmem:s18], [sflag:$0x2], $0x80, v4, vm0, $0xb8;
	[tilespmem:$0x18100] =	vst v63  }
0x124: {  	s17 =	simm.s32 $0x10900  }
0x125: {  	[hbm4b:s4+s3] =	stream.indirect_vreg.scatter [tilespmem:s17], [sflag:$0x2], $0x80, v3, vm0, $0xb8;
	[tilespmem:$0x18100] =	vst v63  }
0x126: {  	s18 =	simm.s32 $0x11100  }
0x127: {  	[hbm4b:s7+s3] =	stream.indirect_vreg.scatter [tilespmem:s18], [sflag:$0x2], $0x80, v3, vm0, $0xb8;
	[tilespmem:$0x18100] =	vst v63  }
0x128: {  	s17 =	simm.s32 $0x11900  }
0x129: {  	[hbm4b:s8+s3] =	stream.indirect_vreg.scatter [tilespmem:s17], [sflag:$0x2], $0x80, v3, vm0, $0xb8;
	[tilespmem:$0x18100] =	vst v63  }
0x12a: {  	v3 =	vld [tilespmem:$0xE0];
	_ =	sdelay $0x4  }
0x12b: {  	v62 =	vshrl.u32 v3, $0x3  }
0x12c: {  	v4 =	vmul.u32 $0x30, v62  }
0x12d: {  	v3 =	vand.u32 $0x7, v3  }
0x12e: {  	v3 =	vor.u32 v3, v4  }
0x12f: {  	v4 =	vperm.xlane v3, v0;
	_ =	sdelay $0x1  }
0x130: {  	v4 =	vadd.s32 v1, v4;
	_ =	sdelay $0x3  }
0x131: {  	s18 =	simm.s32 $0x12100;
	v3 =	vperm.xlane v3, v2  }
0x132: {  	[hbm4b:s4+s3] =	stream.indirect_vreg.scatter [tilespmem:s18], [sflag:$0x2], $0x80, v4, vm0, $0xb8;
	[tilespmem:$0x18100] =	vst v63  }
0x133: {  	s17 =	simm.s32 $0x12900;
	v3 =	vadd.s32 v1, v3  }
0x134: {  	[hbm4b:s7+s3] =	stream.indirect_vreg.scatter [tilespmem:s17], [sflag:$0x2], $0x80, v4, vm0, $0xb8;
	[tilespmem:$0x18100] =	vst v63  }
0x135: {  	s18 =	simm.s32 $0x13100  }
0x136: {  	[hbm4b:s8+s3] =	stream.indirect_vreg.scatter [tilespmem:s18], [sflag:$0x2], $0x80, v4, vm0, $0xb8;
	[tilespmem:$0x18100] =	vst v63  }
0x137: {  	s17 =	simm.s32 $0x13900  }
0x138: {  	[hbm4b:s4+s3] =	stream.indirect_vreg.scatter [tilespmem:s17], [sflag:$0x2], $0x80, v3, vm0, $0xb8;
	[tilespmem:$0x18100] =	vst v63  }
0x139: {  	s18 =	simm.s32 $0x14100  }
0x13a: {  	[hbm4b:s7+s3] =	stream.indirect_vreg.scatter [tilespmem:s18], [sflag:$0x2], $0x80, v3, vm0, $0xb8;
	[tilespmem:$0x18100] =	vst v63  }
0x13b: {  	s17 =	simm.s32 $0x14900  }
0x13c: {  	[hbm4b:s8+s3] =	stream.indirect_vreg.scatter [tilespmem:s17], [sflag:$0x2], $0x80, v3, vm0, $0xb8;
	[tilespmem:$0x18100] =	vst v63  }
0x13d: {  	v3 =	vld [tilespmem:$0xF0];
	_ =	sdelay $0x4  }
0x13e: {  	v63 =	vshrl.u32 v3, $0x3  }
0x13f: {  	v4 =	vmul.u32 $0x30, v63  }
0x140: {  	v3 =	vand.u32 $0x7, v3  }
0x141: {  	v3 =	vor.u32 v3, v4  }
0x142: {  	v4 =	vperm.xlane v3, v0;
	_ =	sdelay $0x1  }
0x143: {  	v4 =	vadd.s32 v1, v4;
	_ =	sdelay $0x3  }
0x144: {  	s18 =	simm.s32 $0x15100;
	v3 =	vperm.xlane v3, v2  }
0x145: {  	[hbm4b:s4+s3] =	stream.indirect_vreg.scatter [tilespmem:s18], [sflag:$0x2], $0x80, v4, vm0, $0xb8;
	[tilespmem:$0x18100] =	vst v63  }
0x146: {  	s17 =	simm.s32 $0x15900;
	v3 =	vadd.s32 v1, v3  }
0x147: {  	[hbm4b:s7+s3] =	stream.indirect_vreg.scatter [tilespmem:s17], [sflag:$0x2], $0x80, v4, vm0, $0xb8;
	[tilespmem:$0x18100] =	vst v63  }
0x148: {  	s18 =	simm.s32 $0x16100  }
0x149: {  	[hbm4b:s8+s3] =	stream.indirect_vreg.scatter [tilespmem:s18], [sflag:$0x2], $0x80, v4, vm0, $0xb8;
	[tilespmem:$0x18100] =	vst v63  }
0x14a: {  	s17 =	simm.s32 $0x16900  }
0x14b: {  	[hbm4b:s4+s3] =	stream.indirect_vreg.scatter [tilespmem:s17], [sflag:$0x2], $0x80, v3, vm0, $0xb8;
	[tilespmem:$0x18100] =	vst v63  }
0x14c: {  	p0 =	sne.s32 s9, $0x1;
	s18 =	simm.s32 $0x17100  }
0x14d: {  	[hbm4b:s7+s3] =	stream.indirect_vreg.scatter [tilespmem:s18], [sflag:$0x2], $0x80, v3, vm0, $0xb8;
	[tilespmem:$0x18100] =	vst v63  }
.Ltmp0:
0x14e: {  	s17 =	simm.s32 $0x17900;
	s18 =	simm.s32 $0x2;
	(pc) =	sbr.rel @p0 .LBB2_1-.Ltmp0, $4  }
0x14f: {  	[hbm4b:s8+s3] =	stream.indirect_vreg.scatter [tilespmem:s17], [sflag:$0x2], $0x80, v3, vm0, $0xb8;
	[tilespmem:$0x18100] =	vst v63  }
0x150: {  	_ =	swait.ge [sflag:s18], $0x18000  }
0x151: {  	[sflag:s18] =	ssyncset.done $0x0  }
0x152: {  	s9 =	sadd.s32 $0xFFFFFFFF, s9;
	[sflag:s18] =	ssyncadd.s32 $0xFFFE8000  }
0x153: {  	_ =	sfence.sel $0x180000  }
0x154: {  	[bflag:$0x0] =	sbarrier.arrive $0xFFFF  }
0x155: {  	_ =	strace $0x90000047  }
0x156: {  	s0 =	stileid.u32;
	[bflag:$0x2] =	sbarrier.arrive $0xFFFF  }
0x157: {  	p0 =	sne.s32 s0, $0x0;
	s0 =	rddreg [dreg:$0x3]  }
0x158: {  	s0 =	sadd.s32 @!p0 $0x100000, s0  }
0x159: {  	[sflag:s0] =	ssyncadd.tile.s32 @!p0 $0x1;
	_ =	shalt  }
.Lfunc_end2:
_tile_overlayer_lowered:
.L_overlay_start_2:
0x15a: {  	(tag) =	ssettag $0x2  }
0x15b: {  	s0 =	rddreg [dreg:$0x0];
	s2 =	stileid.u32  }
0x15c: {  	s1 =	rddreg [dreg:$0x1];
	p0 =	sne.s32 s2, $0x0  }
0x15d: {  	s3 =	rddreg [dreg:$0x2];
	[bflag:$0x3] =	sbarrier.arrive $0xFFFF;
	s2 =	simm.s32 @!p0 $0x1C03  }
0x15e: {  	[timem:s3], [sflag:s2] =	dma.local @!p0 [hbm:s0], s1  }
0x15f: {  	s0 =	simm.s32 @!p0 $0x3  }
0x160: {  	_ =	swait.ge @!p0 [sflag:s0], s1  }
0x161: {  	s1 =	ssub.s32 @!p0 $0x0, s1;
	[sflag:s0] =	ssyncset.done @!p0 $0x0  }
0x162: {  	[sflag:s0] =	ssyncadd.s32 @!p0 s1  }
0x163: {  	[bflag:$0x3] =	sbarrier.arrive $0xFFFF  }
0x164: {  	_ =	shalt  }

</sc_bundles>
